<compile_context>
chip_gen: v7x
topology: tpu7x:2x2x1
jax: 0.10.2.dev20260603
libtpu: 0.0.44.dev20260713+nightly
codegen_flags: <defaults>
</compile_context>

<pallas_src>
import functools

import jax
import jax.numpy as jnp
from jax import lax
from jax.experimental import pallas as pl
from jax.experimental.pallas import tpu as pltpu
from jax.experimental.pallas import tpu_sc as plsc

IH, IW = 256, 704
NPIX = IH * IW
RS = NPIX // 2
M = 240000
MROWS = 1875
SENT = 0x3FFFFFFF
CH = 2048
NFULL = 117
TAIL = M - NFULL * CH
NCANVAS = 12
NTASK = NCANVAS * 2
UNROLL = 8

def _pid_body(py_ref, px_ref, pid_ref):
    py = py_ref[0]
    px = px_ref[0]
    on = (py < 256.0) & (py >= 0.0) & (px < 704.0) & (px >= 0.0)
    yi = py.astype(jnp.int32)
    xi = px.astype(jnp.int32)
    pid_ref[0] = jnp.where(on, yi * IW + xi, SENT)


def _pidify(pyf, pxf):
    return pl.pallas_call(
        _pid_body,
        grid=(NCANVAS,),
        in_specs=[
            pl.BlockSpec((1, MROWS, 128), lambda i: (i, 0, 0)),
            pl.BlockSpec((1, MROWS, 128), lambda i: (i, 0, 0)),
        ],
        out_specs=pl.BlockSpec((1, MROWS, 128), lambda i: (i, 0, 0)),
        out_shape=jax.ShapeDtypeStruct((NCANVAS, MROWS, 128), jnp.int32),
    )(pyf.reshape(NCANVAS, MROWS, 128), pxf.reshape(NCANVAS, MROWS, 128))


@functools.cache
def _build_sc_scatter():
    mesh = plsc.VectorSubcoreMesh(core_axis_name="c", subcore_axis_name="s")
    return pl.kernel(
        _sc_scatter_body,
        out_type=jax.ShapeDtypeStruct((NCANVAS * NPIX,), jnp.float32),
        mesh=mesh,
        scratch_types=[
            pltpu.VMEM((CH,), jnp.int32),
            pltpu.VMEM((CH,), jnp.float32),
            pltpu.VMEM((CH,), jnp.int32),
            pltpu.VMEM((CH,), jnp.float32),
            pltpu.VMEM((RS + 16,), jnp.float32),
            pltpu.SemaphoreType.DMA,
            pltpu.SemaphoreType.DMA,
        ],
        compiler_params=pltpu.CompilerParams(needs_layout_passes=False),
    )


def _sc_scatter_body(pidh, dh, out, p0, d0, p1, d1, canvas, sem0, sem1):
    wid = lax.axis_index("s") * 2 + lax.axis_index("c")
    task = lax.rem(wid, NTASK)
    c = task // 2
    r = lax.rem(task, 2)
    lo = r * RS
    base = c * M

    def start(g, bp, bd, sem):
        pltpu.async_copy(pidh.at[pl.ds(base + g * CH, CH)], bp, sem)
        pltpu.async_copy(dh.at[pl.ds(base + g * CH, CH)], bd, sem)

    def start_tail(bp, bd, sem):
        pltpu.async_copy(pidh.at[pl.ds(base + NFULL * CH, TAIL)], bp.at[pl.ds(0, TAIL)], sem)
        pltpu.async_copy(dh.at[pl.ds(base + NFULL * CH, TAIL)], bd.at[pl.ds(0, TAIL)], sem)

    def wait(bp, bd, sem):
        pltpu.make_async_copy(pidh.at[pl.ds(0, CH)], bp, sem).wait()
        pltpu.make_async_copy(dh.at[pl.ds(0, CH)], bd, sem).wait()

    def wait_tail(bp, bd, sem):
        pltpu.make_async_copy(pidh.at[pl.ds(0, TAIL)], bp.at[pl.ds(0, TAIL)], sem).wait()
        pltpu.make_async_copy(dh.at[pl.ds(0, TAIL)], bd.at[pl.ds(0, TAIL)], sem).wait()

    def process(bp, bd, nvec):
        def vbody(i, carry):
            for k in range(UNROLL):
                off = i * (16 * UNROLL) + k * 16
                pid = bp[pl.ds(off, 16)]
                dv = bd[pl.ds(off, 16)]
                idx = pid - lo
                idxc = plsc.bitcast(
                    jnp.minimum(plsc.bitcast(idx, jnp.uint32), jnp.uint32(RS)),
                    jnp.int32)
                plsc.store_scatter(canvas, [idxc], dv)
            return carry
        lax.fori_loop(0, nvec // UNROLL, vbody, 0)

    start(0, p0, d0, sem0)
    start(1, p1, d1, sem1)

    def zbody(i, carry):
        canvas[pl.ds(i * 16, 16)] = jnp.zeros((16,), jnp.float32)
        return carry
    lax.fori_loop(0, RS // 16 + 1, zbody, 0)

    def chunk_pair(g2, carry):
        wait(p0, d0, sem0)
        process(p0, d0, CH // 16)

        @pl.when(g2 < 57)
        def _():
            start(2 * g2 + 2, p0, d0, sem0)

        @pl.when(g2 == 57)
        def _():
            start(116, p0, d0, sem0)

        wait(p1, d1, sem1)
        process(p1, d1, CH // 16)

        @pl.when(g2 < 57)
        def _():
            start(2 * g2 + 3, p1, d1, sem1)

        @pl.when(g2 == 57)
        def _():
            start_tail(p1, d1, sem1)
        return carry
    lax.fori_loop(0, 58, chunk_pair, 0)

    wait(p0, d0, sem0)
    process(p0, d0, CH // 16)
    wait_tail(p1, d1, sem1)
    process(p1, d1, TAIL // 16)

    pltpu.sync_copy(canvas.at[pl.ds(0, RS)], out.at[pl.ds(c * NPIX + lo, RS)])


def kernel(img, points, lidar2image, cam_intrinsic, camera2lidar, img_aug_matrix, lidar_aug_matrix):
    B = points.shape[0]
    N = lidar2image.shape[1]
    P = points.shape[1]
    heights = jnp.arange(0.25, 2.25, 0.25, dtype=jnp.float32)
    x = jnp.repeat(points[:, :, 0], 8, axis=1)
    y = jnp.repeat(points[:, :, 1], 8, axis=1)
    z = jnp.broadcast_to(jnp.tile(heights, P)[None, :], (B, M))
    tl = lidar_aug_matrix[:, :3, 3]
    cur3 = jnp.stack([x - tl[:, 0, None], y - tl[:, 1, None], z - tl[:, 2, None]], axis=1)
    G = jnp.linalg.inv(lidar_aug_matrix[:, :3, :3])
    c3 = jnp.matmul(G, cur3)
    v = jnp.matmul(lidar2image[:, :, :3, :3], c3[:, None])
    v = v + lidar2image[:, :, :3, 3][..., None]
    zc = jnp.clip(v[:, :, 2, :], 1e-05, 100000.0)
    u01 = v[:, :, :2, :] / zc[:, :, None, :]
    mid = jnp.concatenate([u01, zc[:, :, None, :]], axis=2)
    fin = jnp.matmul(img_aug_matrix[:, :, :3, :3], mid)
    fin = fin + img_aug_matrix[:, :, :3, 3][..., None]
    pyf = fin[:, :, 1, :].reshape(NCANVAS * M)
    pxf = fin[:, :, 0, :].reshape(NCANVAS * M)
    df = zc.reshape(NCANVAS * M)
    pid = _pidify(pyf, pxf)
    out = _build_sc_scatter()(pid.reshape(-1), df)
    return out.reshape(B, N, 1, IH, IW)

# --- scband reference (transcript-rebuilt; emitter-appended) ---
"""Pipeline reference for scband-base-depth-transform-63943473103193 (READ-ONLY COPY).

The authoritative reference and input builder live on the scoring server;
editing this copy changes nothing except your own understanding.
"""

import jax, jax.numpy as jnp
import numpy as np

B = 2
NCAM = 6
P = 30000
IH, IW = 256, 704
CIN, FH, FW = 256, 32, 88


def setup_inputs(seed: int = 0) -> dict:
    key = jax.random.key(seed)
    ks = jax.random.split(key, 8)
    img = jax.random.normal(ks[0], (B, NCAM, CIN, FH, FW), dtype=jnp.float32)
    pts_xy = jax.random.normal(ks[1], (B, P, 2), dtype=jnp.float32) * 15.0
    pts_rest = jax.random.normal(ks[2], (B, P, 3), dtype=jnp.float32) * 0.5
    points = jnp.concatenate([pts_xy, pts_rest], axis=-1)
    K = jnp.array([[500.0, 0.0, 352.0], [0.0, 500.0, 128.0], [0.0, 0.0, 1.0]], dtype=jnp.float32)
    R = jnp.eye(3, dtype=jnp.float32)[None, None] + 0.01 * jax.random.normal(ks[3], (B, NCAM, 3, 3), dtype=jnp.float32)
    t = jnp.array([0.0, 0.0, 30.0], dtype=jnp.float32)
    lidar2image = jnp.zeros((B, NCAM, 4, 4), dtype=jnp.float32)
    lidar2image = lidar2image.at[..., :3, :3].set(jnp.einsum('ij,bcjk->bcik', K, R))
    lidar2image = lidar2image.at[..., :3, 3].set(K @ t)
    lidar2image = lidar2image.at[..., 3, 3].set(1.0)
    cam_intrinsic = jnp.zeros((B, NCAM, 4, 4), dtype=jnp.float32)
    cam_intrinsic = cam_intrinsic.at[..., :3, :3].set(K)
    cam_intrinsic = cam_intrinsic.at[..., 3, 3].set(1.0)
    camera2lidar = jnp.tile(jnp.eye(4, dtype=jnp.float32), (B, NCAM, 1, 1))
    img_aug_matrix = jnp.tile(jnp.eye(4, dtype=jnp.float32), (B, NCAM, 1, 1))
    img_aug_matrix = img_aug_matrix.at[..., :3, :3].add(0.01 * jax.random.normal(ks[4], (B, NCAM, 3, 3), dtype=jnp.float32))
    lidar_aug_matrix = jnp.tile(jnp.eye(4, dtype=jnp.float32), (B, 1, 1))
    lidar_aug_matrix = lidar_aug_matrix.at[:, :3, :3].add(0.01 * jax.random.normal(ks[5], (B, 3, 3), dtype=jnp.float32))
    return {"img": img, "points": points, "lidar2image": lidar2image, "cam_intrinsic": cam_intrinsic, "camera2lidar": camera2lidar, "img_aug_matrix": img_aug_matrix, "lidar_aug_matrix": lidar_aug_matrix}


def _depth_transform(img, points, lidar2image, cam_intrinsic, camera2lidar, img_aug_matrix, lidar_aug_matrix):
    # height_expand: repeat each point 8x with heights 0.25..2.0
    heights = jnp.arange(0.25, 2.25, 0.25, dtype=jnp.float32)
    pts = jnp.repeat(points, 8, axis=1)
    z = jnp.tile(heights, points.shape[1])
    pts = pts.at[:, :, 2].set(z[None, :])
    batch_size = points.shape[0]
    ncam = lidar2image.shape[1]
    depth = jnp.zeros((batch_size, ncam, 1, IH, IW), dtype=jnp.float32)
    for b in range(batch_size):
        cur = pts[b][:, :3]
        cur = cur - lidar_aug_matrix[b, :3, 3]
        cur = jnp.linalg.inv(lidar_aug_matrix[b, :3, :3]) @ cur.T  # [3, M]
        cur = jnp.einsum('nij,jm->nim', lidar2image[b, :, :3, :3], cur)  # [N,3,M]
        cur = cur + lidar2image[b, :, :3, 3][:, :, None]
        # torch: dist is a view of cur_coords[:,2,:]; the in-place clamp aliases it,
        # so dist equals the clamped depth values
        cur = cur.at[:, 2, :].set(jnp.clip(cur[:, 2, :], 1e-05, 100000.0))
        dist = cur[:, 2, :]
        cur = cur.at[:, :2, :].set(cur[:, :2, :] / cur[:, 2:3, :])
        cur = jnp.einsum('nij,njm->nim', img_aug_matrix[b, :, :3, :3], cur)
        cur = cur + img_aug_matrix[b, :, :3, 3][:, :, None]
        coords = jnp.transpose(cur[:, :2, :], (0, 2, 1))[..., ::-1]  # [N, M, 2] as (y, x)
        on_img = (coords[..., 0] < IH) & (coords[..., 0] >= 0) & (coords[..., 1] < IW) & (coords[..., 1] >= 0)
        ci = coords.astype(jnp.int32)
        yi = jnp.where(on_img, ci[..., 0], IH)  # off-image -> OOB index, dropped by scatter
        xi = jnp.where(on_img, ci[..., 1], IW)
        cam = jnp.broadcast_to(jnp.arange(ncam)[:, None], yi.shape)
        depth = depth.at[b, cam.reshape(-1), 0, yi.reshape(-1), xi.reshape(-1)].set(dist.reshape(-1))
    return depth


def reference(img, points, lidar2image, cam_intrinsic, camera2lidar, img_aug_matrix, lidar_aug_matrix):
    return _depth_transform(img, points, lidar2image, cam_intrinsic, camera2lidar, img_aug_matrix, lidar_aug_matrix)

if __name__ == "__main__":
    import jax
    _d = setup_inputs()
    print(jax.jit(kernel)(*tuple(_d.values())))

</pallas_src>

<mosaic_0001>
#map = affine_map<(d0, d1) -> (0)>
module attributes {stable_mosaic.version = 14 : i64} {
  func.func @_sc_scatter_body(%arg0: i32, %arg1: i32, %arg2: memref<2880000xi32, #tpu.memory_space<hbm>>, %arg3: memref<2880000xf32, #tpu.memory_space<hbm>>, %arg4: memref<2162688xf32, #tpu.memory_space<hbm>>, %arg5: memref<2048xi32, #tpu.memory_space<vmem>>, %arg6: memref<2048xf32, #tpu.memory_space<vmem>>, %arg7: memref<2048xi32, #tpu.memory_space<vmem>>, %arg8: memref<2048xf32, #tpu.memory_space<vmem>>, %arg9: memref<90128xf32, #tpu.memory_space<vmem>>, %arg10: memref<!tpu.dma_semaphore, #tpu.memory_space<semaphore_mem>>, %arg11: memref<!tpu.dma_semaphore, #tpu.memory_space<semaphore_mem>>) attributes {dimension_semantics = [#tpu.dimension_semantics<core_parallel>, #tpu.dimension_semantics<subcore_parallel>], iteration_bounds = array<i64: 2, 16>, scalar_prefetch = 0 : i64, scratch_operands = 7 : i64, tpu.core_type = #tpu.core_type<sc_vector_subcore>, window_params = [{transform_indices = #map}, {transform_indices = #map}, {transform_indices = #map}]} {
    %mul3A = arith.constant 2 : i32
    %mul3A_0 = arith.muli %arg1, %mul3A : i32
    %add3A = arith.addi %mul3A_0, %arg0 : i32
    %rem3A = arith.constant 24 : i32
    %rem3A_1 = arith.remsi %add3A, %rem3A : i32
    %jit3A = arith.constant 2 : i32
    %div3A = arith.divsi %rem3A_1, %jit3A : i32
    %sign3A = arith.constant 0 : i32
    %sign3A_2 = arith.cmpi sgt, %rem3A_1, %sign3A : i32
    %sign3A_3 = arith.extui %sign3A_2 : i1 to i32
    %sign3A_4 = arith.constant 0 : i32
    %sign3A_5 = arith.cmpi slt, %rem3A_1, %sign3A_4 : i32
    %sign3A_6 = arith.extui %sign3A_5 : i1 to i32
    %sign3A_7 = arith.subi %sign3A_3, %sign3A_6 : i32
    %sign3A_8 = arith.constant 0 : i32
    %sign3A_9 = arith.cmpi sgt, %jit3A, %sign3A_8 : i32
    %sign3A_10 = arith.extui %sign3A_9 : i1 to i32
    %sign3A_11 = arith.constant 0 : i32
    %sign3A_12 = arith.cmpi slt, %jit3A, %sign3A_11 : i32
    %sign3A_13 = arith.extui %sign3A_12 : i1 to i32
    %sign3A_14 = arith.subi %sign3A_10, %sign3A_13 : i32
    %ne3A = arith.cmpi ne, %sign3A_7, %sign3A_14 : i32
    %rem3A_15 = arith.remsi %rem3A_1, %jit3A : i32
    %ne3A_16 = arith.constant 0 : i32
    %ne3A_17 = arith.cmpi ne, %rem3A_15, %ne3A_16 : i32
    %and3A = arith.andi %ne3A, %ne3A_17 : i1
    %sub3A = arith.constant 1 : i32
    %sub3A_18 = arith.subi %div3A, %sub3A : i32
    %select_n3A = arith.select %and3A, %sub3A_18, %div3A : i32
    %rem3A_19 = arith.constant 2 : i32
    %rem3A_20 = arith.remsi %rem3A_1, %rem3A_19 : i32
    %mul3A_21 = arith.constant 90112 : i32
    %mul3A_22 = arith.muli %rem3A_20, %mul3A_21 : i32
    %mul3A_23 = arith.constant 240000 : i32
    %mul3A_24 = arith.muli %select_n3A, %mul3A_23 : i32
    %add3A_25 = arith.constant 0 : i32
    %add3A_26 = arith.addi %mul3A_24, %add3A_25 : i32
    %dma_start3A = tpu.memref_slice %arg2[%add3A_26] : memref<2880000xi32, #tpu.memory_space<hbm>> -> memref<2048xi32, #tpu.memory_space<hbm>>
    %dma_start3A_27 = tpu.memref_slice %arg2[%add3A_26] : memref<2880000xi32, #tpu.memory_space<hbm>> -> memref<2048xi32, #tpu.memory_space<hbm>>
    tpu.enqueue_dma source(%dma_start3A_27 : memref<2048xi32, #tpu.memory_space<hbm>>) target(%arg5 : memref<2048xi32, #tpu.memory_space<vmem>>) target_semaphore(%arg10 : memref<!tpu.dma_semaphore, #tpu.memory_space<semaphore_mem>>)
    %add3A_28 = arith.constant 0 : i32
    %add3A_29 = arith.addi %mul3A_24, %add3A_28 : i32
    %dma_start3A_30 = tpu.memref_slice %arg3[%add3A_29] : memref<2880000xf32, #tpu.memory_space<hbm>> -> memref<2048xf32, #tpu.memory_space<hbm>>
    %dma_start3A_31 = tpu.memref_slice %arg3[%add3A_29] : memref<2880000xf32, #tpu.memory_space<hbm>> -> memref<2048xf32, #tpu.memory_space<hbm>>
    tpu.enqueue_dma source(%dma_start3A_31 : memref<2048xf32, #tpu.memory_space<hbm>>) target(%arg6 : memref<2048xf32, #tpu.memory_space<vmem>>) target_semaphore(%arg10 : memref<!tpu.dma_semaphore, #tpu.memory_space<semaphore_mem>>)
    %add3A_32 = arith.constant 2048 : i32
    %add3A_33 = arith.addi %mul3A_24, %add3A_32 : i32
    %dma_start3A_34 = tpu.memref_slice %arg2[%add3A_33] : memref<2880000xi32, #tpu.memory_space<hbm>> -> memref<2048xi32, #tpu.memory_space<hbm>>
    %dma_start3A_35 = tpu.memref_slice %arg2[%add3A_33] : memref<2880000xi32, #tpu.memory_space<hbm>> -> memref<2048xi32, #tpu.memory_space<hbm>>
    tpu.enqueue_dma source(%dma_start3A_35 : memref<2048xi32, #tpu.memory_space<hbm>>) target(%arg7 : memref<2048xi32, #tpu.memory_space<vmem>>) target_semaphore(%arg11 : memref<!tpu.dma_semaphore, #tpu.memory_space<semaphore_mem>>)
    %add3A_36 = arith.constant 2048 : i32
    %add3A_37 = arith.addi %mul3A_24, %add3A_36 : i32
    %dma_start3A_38 = tpu.memref_slice %arg3[%add3A_37] : memref<2880000xf32, #tpu.memory_space<hbm>> -> memref<2048xf32, #tpu.memory_space<hbm>>
    %dma_start3A_39 = tpu.memref_slice %arg3[%add3A_37] : memref<2880000xf32, #tpu.memory_space<hbm>> -> memref<2048xf32, #tpu.memory_space<hbm>>
    tpu.enqueue_dma source(%dma_start3A_39 : memref<2048xf32, #tpu.memory_space<hbm>>) target(%arg8 : memref<2048xf32, #tpu.memory_space<vmem>>) target_semaphore(%arg11 : memref<!tpu.dma_semaphore, #tpu.memory_space<semaphore_mem>>)
    %scan3A = arith.constant 0 : i32
    %scan3A_40 = arith.constant 0 : i32
    %scan3A_41 = arith.constant 5633 : i32
    %scan3A_42 = arith.addi %scan3A_40, %scan3A_41 : i32
    %scan3A_43 = arith.constant 1 : i32
    scf.for %scan3A_89 = %scan3A_40 to %scan3A_42 step %scan3A_43  : i32 {
      %broadcast_in_dim3A = arith.constant 0.000000e+00 : f32
      %broadcast_in_dim3A_90 = vector.broadcast %broadcast_in_dim3A : f32 to vector<16xf32>
      %mul3A_91 = arith.constant 16 : i32
      %mul3A_92 = arith.muli %scan3A_89, %mul3A_91 : i32
      %swap3A = arith.index_cast %mul3A_92 : i32 to index
      %swap3A_93 = tpu.vector_load %arg9[%swap3A] {strides = array<i32>} : memref<90128xf32, #tpu.memory_space<vmem>>, vector<16xf32>,
      tpu.vector_store %arg9[%swap3A], %broadcast_in_dim3A_90 {strides = array<i32>} : memref<90128xf32, #tpu.memory_space<vmem>>, vector<16xf32>,
    }
    %scan3A_44 = arith.constant 5633 : i32
    %scan3A_45 = arith.constant 0 : i32
    %scan3A_46 = arith.constant 0 : i32
    %scan3A_47 = arith.constant 58 : i32
    %scan3A_48 = arith.addi %scan3A_46, %scan3A_47 : i32
    %scan3A_49 = arith.constant 1 : i32
    scf.for %scan3A_89 = %scan3A_46 to %scan3A_48 step %scan3A_49  : i32 {
      %dma_wait3A_90 = arith.constant 0 : i32
      %dma_wait3A_91 = tpu.memref_slice %arg2[%dma_wait3A_90] : memref<2880000xi32, #tpu.memory_space<hbm>> -> memref<2048xi32, #tpu.memory_space<hbm>>
      %dma_wait3A_92 = arith.constant 0 : i32
      %dma_wait3A_93 = tpu.memref_slice %arg2[%dma_wait3A_92] : memref<2880000xi32, #tpu.memory_space<hbm>> -> memref<2048xi32, #tpu.memory_space<hbm>>
      tpu.wait_dma2 semaphore(%arg10 : memref<!tpu.dma_semaphore, #tpu.memory_space<semaphore_mem>>) src(%dma_wait3A_93 : memref<2048xi32, #tpu.memory_space<hbm>>) dst(%arg5 : memref<2048xi32, #tpu.memory_space<vmem>>)
      %dma_wait3A_94 = arith.constant 0 : i32
      %dma_wait3A_95 = tpu.memref_slice %arg3[%dma_wait3A_94] : memref<2880000xf32, #tpu.memory_space<hbm>> -> memref<2048xf32, #tpu.memory_space<hbm>>
      %dma_wait3A_96 = arith.constant 0 : i32
      %dma_wait3A_97 = tpu.memref_slice %arg3[%dma_wait3A_96] : memref<2880000xf32, #tpu.memory_space<hbm>> -> memref<2048xf32, #tpu.memory_space<hbm>>
      tpu.wait_dma2 semaphore(%arg10 : memref<!tpu.dma_semaphore, #tpu.memory_space<semaphore_mem>>) src(%dma_wait3A_97 : memref<2048xf32, #tpu.memory_space<hbm>>) dst(%arg6 : memref<2048xf32, #tpu.memory_space<vmem>>)
      %scan3A_98 = arith.constant 0 : i32
      %scan3A_99 = arith.constant 0 : i32
      %scan3A_100 = arith.constant 16 : i32
      %scan3A_101 = arith.addi %scan3A_99, %scan3A_100 : i32
      %scan3A_102 = arith.constant 1 : i32
      scf.for %scan3A_134 = %scan3A_99 to %scan3A_101 step %scan3A_102  : i32 {
        %mul3A_135 = arith.constant 128 : i32
        %mul3A_136 = arith.muli %scan3A_134, %mul3A_135 : i32
        %add3A_137 = arith.constant 0 : i32
        %add3A_138 = arith.addi %mul3A_136, %add3A_137 : i32
        %get3A = arith.index_cast %add3A_138 : i32 to index
        %get3A_139 = tpu.vector_load %arg5[%get3A] {strides = array<i32>} : memref<2048xi32, #tpu.memory_space<vmem>>, vector<16xi32>,
        %get3A_140 = arith.index_cast %add3A_138 : i32 to index
        %get3A_141 = tpu.vector_load %arg6[%get3A_140] {strides = array<i32>} : memref<2048xf32, #tpu.memory_space<vmem>>, vector<16xf32>,
        %sub3A_142 = vector.broadcast %mul3A_22 : i32 to vector<16xi32>
        %sub3A_143 = arith.subi %get3A_139, %sub3A_142 : vector<16xi32>
        %bitcast3A = vector.bitcast %sub3A_143 : vector<16xi32> to vector<16xi32>
        %min3A = arith.constant 90112 : i32
        %min3A_144 = vector.broadcast %min3A : i32 to vector<16xi32>
        %min3A_145 = arith.minui %bitcast3A, %min3A_144 : vector<16xi32>
        %bitcast3A_146 = vector.bitcast %min3A_145 : vector<16xi32> to vector<16xi32>
        tpu.vector_store_idx %arg9[%bitcast3A_146], %get3A_141 : memref<90128xf32, #tpu.memory_space<vmem>>[vector<16xi32>], vector<16xf32>,
        %mul3A_147 = arith.constant 128 : i32
        %mul3A_148 = arith.muli %scan3A_134, %mul3A_147 : i32
        %add3A_149 = arith.constant 16 : i32
        %add3A_150 = arith.addi %mul3A_148, %add3A_149 : i32
        %get3A_151 = arith.index_cast %add3A_150 : i32 to index
        %get3A_152 = tpu.vector_load %arg5[%get3A_151] {strides = array<i32>} : memref<2048xi32, #tpu.memory_space<vmem>>, vector<16xi32>,
        %get3A_153 = arith.index_cast %add3A_150 : i32 to index
        %get3A_154 = tpu.vector_load %arg6[%get3A_153] {strides = array<i32>} : memref<2048xf32, #tpu.memory_space<vmem>>, vector<16xf32>,
        %sub3A_155 = vector.broadcast %mul3A_22 : i32 to vector<16xi32>
        %sub3A_156 = arith.subi %get3A_152, %sub3A_155 : vector<16xi32>
        %bitcast3A_157 = vector.bitcast %sub3A_156 : vector<16xi32> to vector<16xi32>
        %min3A_158 = arith.constant 90112 : i32
        %min3A_159 = vector.broadcast %min3A_158 : i32 to vector<16xi32>
        %min3A_160 = arith.minui %bitcast3A_157, %min3A_159 : vector<16xi32>
        %bitcast3A_161 = vector.bitcast %min3A_160 : vector<16xi32> to vector<16xi32>
        tpu.vector_store_idx %arg9[%bitcast3A_161], %get3A_154 : memref<90128xf32, #tpu.memory_space<vmem>>[vector<16xi32>], vector<16xf32>,
        %mul3A_162 = arith.constant 128 : i32
        %mul3A_163 = arith.muli %scan3A_134, %mul3A_162 : i32
        %add3A_164 = arith.constant 32 : i32
        %add3A_165 = arith.addi %mul3A_163, %add3A_164 : i32
        %get3A_166 = arith.index_cast %add3A_165 : i32 to index
        %get3A_167 = tpu.vector_load %arg5[%get3A_166] {strides = array<i32>} : memref<2048xi32, #tpu.memory_space<vmem>>, vector<16xi32>,
        %get3A_168 = arith.index_cast %add3A_165 : i32 to index
        %get3A_169 = tpu.vector_load %arg6[%get3A_168] {strides = array<i32>} : memref<2048xf32, #tpu.memory_space<vmem>>, vector<16xf32>,
        %sub3A_170 = vector.broadcast %mul3A_22 : i32 to vector<16xi32>
        %sub3A_171 = arith.subi %get3A_167, %sub3A_170 : vector<16xi32>
        %bitcast3A_172 = vector.bitcast %sub3A_171 : vector<16xi32> to vector<16xi32>
        %min3A_173 = arith.constant 90112 : i32
        %min3A_174 = vector.broadcast %min3A_173 : i32 to vector<16xi32>
        %min3A_175 = arith.minui %bitcast3A_172, %min3A_174 : vector<16xi32>
        %bitcast3A_176 = vector.bitcast %min3A_175 : vector<16xi32> to vector<16xi32>
        tpu.vector_store_idx %arg9[%bitcast3A_176], %get3A_169 : memref<90128xf32, #tpu.memory_space<vmem>>[vector<16xi32>], vector<16xf32>,
        %mul3A_177 = arith.constant 128 : i32
        %mul3A_178 = arith.muli %scan3A_134, %mul3A_177 : i32
        %add3A_179 = arith.constant 48 : i32
        %add3A_180 = arith.addi %mul3A_178, %add3A_179 : i32
        %get3A_181 = arith.index_cast %add3A_180 : i32 to index
        %get3A_182 = tpu.vector_load %arg5[%get3A_181] {strides = array<i32>} : memref<2048xi32, #tpu.memory_space<vmem>>, vector<16xi32>,
        %get3A_183 = arith.index_cast %add3A_180 : i32 to index
        %get3A_184 = tpu.vector_load %arg6[%get3A_183] {strides = array<i32>} : memref<2048xf32, #tpu.memory_space<vmem>>, vector<16xf32>,
        %sub3A_185 = vector.broadcast %mul3A_22 : i32 to vector<16xi32>
        %sub3A_186 = arith.subi %get3A_182, %sub3A_185 : vector<16xi32>
        %bitcast3A_187 = vector.bitcast %sub3A_186 : vector<16xi32> to vector<16xi32>
        %min3A_188 = arith.constant 90112 : i32
        %min3A_189 = vector.broadcast %min3A_188 : i32 to vector<16xi32>
        %min3A_190 = arith.minui %bitcast3A_187, %min3A_189 : vector<16xi32>
        %bitcast3A_191 = vector.bitcast %min3A_190 : vector<16xi32> to vector<16xi32>
        tpu.vector_store_idx %arg9[%bitcast3A_191], %get3A_184 : memref<90128xf32, #tpu.memory_space<vmem>>[vector<16xi32>], vector<16xf32>,
        %mul3A_192 = arith.constant 128 : i32
        %mul3A_193 = arith.muli %scan3A_134, %mul3A_192 : i32
        %add3A_194 = arith.constant 64 : i32
        %add3A_195 = arith.addi %mul3A_193, %add3A_194 : i32
        %get3A_196 = arith.index_cast %add3A_195 : i32 to index
        %get3A_197 = tpu.vector_load %arg5[%get3A_196] {strides = array<i32>} : memref<2048xi32, #tpu.memory_space<vmem>>, vector<16xi32>,
        %get3A_198 = arith.index_cast %add3A_195 : i32 to index
        %get3A_199 = tpu.vector_load %arg6[%get3A_198] {strides = array<i32>} : memref<2048xf32, #tpu.memory_space<vmem>>, vector<16xf32>,
        %sub3A_200 = vector.broadcast %mul3A_22 : i32 to vector<16xi32>
        %sub3A_201 = arith.subi %get3A_197, %sub3A_200 : vector<16xi32>
        %bitcast3A_202 = vector.bitcast %sub3A_201 : vector<16xi32> to vector<16xi32>
        %min3A_203 = arith.constant 90112 : i32
        %min3A_204 = vector.broadcast %min3A_203 : i32 to vector<16xi32>
        %min3A_205 = arith.minui %bitcast3A_202, %min3A_204 : vector<16xi32>
        %bitcast3A_206 = vector.bitcast %min3A_205 : vector<16xi32> to vector<16xi32>
        tpu.vector_store_idx %arg9[%bitcast3A_206], %get3A_199 : memref<90128xf32, #tpu.memory_space<vmem>>[vector<16xi32>], vector<16xf32>,
        %mul3A_207 = arith.constant 128 : i32
        %mul3A_208 = arith.muli %scan3A_134, %mul3A_207 : i32
        %add3A_209 = arith.constant 80 : i32
        %add3A_210 = arith.addi %mul3A_208, %add3A_209 : i32
        %get3A_211 = arith.index_cast %add3A_210 : i32 to index
        %get3A_212 = tpu.vector_load %arg5[%get3A_211] {strides = array<i32>} : memref<2048xi32, #tpu.memory_space<vmem>>, vector<16xi32>,
        %get3A_213 = arith.index_cast %add3A_210 : i32 to index
        %get3A_214 = tpu.vector_load %arg6[%get3A_213] {strides = array<i32>} : memref<2048xf32, #tpu.memory_space<vmem>>, vector<16xf32>,
        %sub3A_215 = vector.broadcast %mul3A_22 : i32 to vector<16xi32>
        %sub3A_216 = arith.subi %get3A_212, %sub3A_215 : vector<16xi32>
        %bitcast3A_217 = vector.bitcast %sub3A_216 : vector<16xi32> to vector<16xi32>
        %min3A_218 = arith.constant 90112 : i32
        %min3A_219 = vector.broadcast %min3A_218 : i32 to vector<16xi32>
        %min3A_220 = arith.minui %bitcast3A_217, %min3A_219 : vector<16xi32>
        %bitcast3A_221 = vector.bitcast %min3A_220 : vector<16xi32> to vector<16xi32>
        tpu.vector_store_idx %arg9[%bitcast3A_221], %get3A_214 : memref<90128xf32, #tpu.memory_space<vmem>>[vector<16xi32>], vector<16xf32>,
        %mul3A_222 = arith.constant 128 : i32
        %mul3A_223 = arith.muli %scan3A_134, %mul3A_222 : i32
        %add3A_224 = arith.constant 96 : i32
        %add3A_225 = arith.addi %mul3A_223, %add3A_224 : i32
        %get3A_226 = arith.index_cast %add3A_225 : i32 to index
        %get3A_227 = tpu.vector_load %arg5[%get3A_226] {strides = array<i32>} : memref<2048xi32, #tpu.memory_space<vmem>>, vector<16xi32>,
        %get3A_228 = arith.index_cast %add3A_225 : i32 to index
        %get3A_229 = tpu.vector_load %arg6[%get3A_228] {strides = array<i32>} : memref<2048xf32, #tpu.memory_space<vmem>>, vector<16xf32>,
        %sub3A_230 = vector.broadcast %mul3A_22 : i32 to vector<16xi32>
        %sub3A_231 = arith.subi %get3A_227, %sub3A_230 : vector<16xi32>
        %bitcast3A_232 = vector.bitcast %sub3A_231 : vector<16xi32> to vector<16xi32>
        %min3A_233 = arith.constant 90112 : i32
        %min3A_234 = vector.broadcast %min3A_233 : i32 to vector<16xi32>
        %min3A_235 = arith.minui %bitcast3A_232, %min3A_234 : vector<16xi32>
        %bitcast3A_236 = vector.bitcast %min3A_235 : vector<16xi32> to vector<16xi32>
        tpu.vector_store_idx %arg9[%bitcast3A_236], %get3A_229 : memref<90128xf32, #tpu.memory_space<vmem>>[vector<16xi32>], vector<16xf32>,
        %mul3A_237 = arith.constant 128 : i32
        %mul3A_238 = arith.muli %scan3A_134, %mul3A_237 : i32
        %add3A_239 = arith.constant 112 : i32
        %add3A_240 = arith.addi %mul3A_238, %add3A_239 : i32
        %get3A_241 = arith.index_cast %add3A_240 : i32 to index
        %get3A_242 = tpu.vector_load %arg5[%get3A_241] {strides = array<i32>} : memref<2048xi32, #tpu.memory_space<vmem>>, vector<16xi32>,
        %get3A_243 = arith.index_cast %add3A_240 : i32 to index
        %get3A_244 = tpu.vector_load %arg6[%get3A_243] {strides = array<i32>} : memref<2048xf32, #tpu.memory_space<vmem>>, vector<16xf32>,
        %sub3A_245 = vector.broadcast %mul3A_22 : i32 to vector<16xi32>
        %sub3A_246 = arith.subi %get3A_242, %sub3A_245 : vector<16xi32>
        %bitcast3A_247 = vector.bitcast %sub3A_246 : vector<16xi32> to vector<16xi32>
        %min3A_248 = arith.constant 90112 : i32
        %min3A_249 = vector.broadcast %min3A_248 : i32 to vector<16xi32>
        %min3A_250 = arith.minui %bitcast3A_247, %min3A_249 : vector<16xi32>
        %bitcast3A_251 = vector.bitcast %min3A_250 : vector<16xi32> to vector<16xi32>
        tpu.vector_store_idx %arg9[%bitcast3A_251], %get3A_244 : memref<90128xf32, #tpu.memory_space<vmem>>[vector<16xi32>], vector<16xf32>,
      }
      %scan3A_103 = arith.constant 16 : i32
      %lt3A = arith.constant 57 : i32
      %lt3A_104 = arith.cmpi slt, %scan3A_89, %lt3A : i32
      %convert_element_type3A = arith.extui %lt3A_104 : i1 to i32
      %cond3A = arith.constant 0 : i32
      %cond3A_105 = arith.cmpi ne, %convert_element_type3A, %cond3A : i32
      scf.if %cond3A_105 {
        %mul3A_134 = arith.constant 2 : i32
        %mul3A_135 = arith.muli %mul3A_134, %scan3A_89 : i32
        %add3A_136 = arith.constant 2 : i32
        %add3A_137 = arith.addi %mul3A_135, %add3A_136 : i32
        %mul3A_138 = arith.constant 2048 : i32
        %mul3A_139 = arith.muli %add3A_137, %mul3A_138 : i32
        %add3A_140 = arith.addi %mul3A_24, %mul3A_139 : i32
        %dma_start3A_141 = tpu.memref_slice %arg2[%add3A_140] : memref<2880000xi32, #tpu.memory_space<hbm>> -> memref<2048xi32, #tpu.memory_space<hbm>>
        %dma_start3A_142 = tpu.memref_slice %arg2[%add3A_140] : memref<2880000xi32, #tpu.memory_space<hbm>> -> memref<2048xi32, #tpu.memory_space<hbm>>
        tpu.enqueue_dma source(%dma_start3A_142 : memref<2048xi32, #tpu.memory_space<hbm>>) target(%arg5 : memref<2048xi32, #tpu.memory_space<vmem>>) target_semaphore(%arg10 : memref<!tpu.dma_semaphore, #tpu.memory_space<semaphore_mem>>)
        %mul3A_143 = arith.constant 2048 : i32
        %mul3A_144 = arith.muli %add3A_137, %mul3A_143 : i32
        %add3A_145 = arith.addi %mul3A_24, %mul3A_144 : i32
        %dma_start3A_146 = tpu.memref_slice %arg3[%add3A_145] : memref<2880000xf32, #tpu.memory_space<hbm>> -> memref<2048xf32, #tpu.memory_space<hbm>>
        %dma_start3A_147 = tpu.memref_slice %arg3[%add3A_145] : memref<2880000xf32, #tpu.memory_space<hbm>> -> memref<2048xf32, #tpu.memory_space<hbm>>
        tpu.enqueue_dma source(%dma_start3A_147 : memref<2048xf32, #tpu.memory_space<hbm>>) target(%arg6 : memref<2048xf32, #tpu.memory_space<vmem>>) target_semaphore(%arg10 : memref<!tpu.dma_semaphore, #tpu.memory_space<semaphore_mem>>)
      } else {
      }
      %eq3A = arith.constant 57 : i32
      %eq3A_106 = arith.cmpi eq, %scan3A_89, %eq3A : i32
      %convert_element_type3A_107 = arith.extui %eq3A_106 : i1 to i32
      %cond3A_108 = arith.constant 0 : i32
      %cond3A_109 = arith.cmpi ne, %convert_element_type3A_107, %cond3A_108 : i32
      scf.if %cond3A_109 {
        %add3A_134 = arith.constant 237568 : i32
        %add3A_135 = arith.addi %mul3A_24, %add3A_134 : i32
        %dma_start3A_136 = tpu.memref_slice %arg2[%add3A_135] : memref<2880000xi32, #tpu.memory_space<hbm>> -> memref<2048xi32, #tpu.memory_space<hbm>>
        %dma_start3A_137 = tpu.memref_slice %arg2[%add3A_135] : memref<2880000xi32, #tpu.memory_space<hbm>> -> memref<2048xi32, #tpu.memory_space<hbm>>
        tpu.enqueue_dma source(%dma_start3A_137 : memref<2048xi32, #tpu.memory_space<hbm>>) target(%arg5 : memref<2048xi32, #tpu.memory_space<vmem>>) target_semaphore(%arg10 : memref<!tpu.dma_semaphore, #tpu.memory_space<semaphore_mem>>)
        %add3A_138 = arith.constant 237568 : i32
        %add3A_139 = arith.addi %mul3A_24, %add3A_138 : i32
        %dma_start3A_140 = tpu.memref_slice %arg3[%add3A_139] : memref<2880000xf32, #tpu.memory_space<hbm>> -> memref<2048xf32, #tpu.memory_space<hbm>>
        %dma_start3A_141 = tpu.memref_slice %arg3[%add3A_139] : memref<2880000xf32, #tpu.memory_space<hbm>> -> memref<2048xf32, #tpu.memory_space<hbm>>
        tpu.enqueue_dma source(%dma_start3A_141 : memref<2048xf32, #tpu.memory_space<hbm>>) target(%arg6 : memref<2048xf32, #tpu.memory_space<vmem>>) target_semaphore(%arg10 : memref<!tpu.dma_semaphore, #tpu.memory_space<semaphore_mem>>)
      } else {
      }
      %dma_wait3A_110 = arith.constant 0 : i32
      %dma_wait3A_111 = tpu.memref_slice %arg2[%dma_wait3A_110] : memref<2880000xi32, #tpu.memory_space<hbm>> -> memref<2048xi32, #tpu.memory_space<hbm>>
      %dma_wait3A_112 = arith.constant 0 : i32
      %dma_wait3A_113 = tpu.memref_slice %arg2[%dma_wait3A_112] : memref<2880000xi32, #tpu.memory_space<hbm>> -> memref<2048xi32, #tpu.memory_space<hbm>>
      tpu.wait_dma2 semaphore(%arg11 : memref<!tpu.dma_semaphore, #tpu.memory_space<semaphore_mem>>) src(%dma_wait3A_113 : memref<2048xi32, #tpu.memory_space<hbm>>) dst(%arg7 : memref<2048xi32, #tpu.memory_space<vmem>>)
      %dma_wait3A_114 = arith.constant 0 : i32
      %dma_wait3A_115 = tpu.memref_slice %arg3[%dma_wait3A_114] : memref<2880000xf32, #tpu.memory_space<hbm>> -> memref<2048xf32, #tpu.memory_space<hbm>>
      %dma_wait3A_116 = arith.constant 0 : i32
      %dma_wait3A_117 = tpu.memref_slice %arg3[%dma_wait3A_116] : memref<2880000xf32, #tpu.memory_space<hbm>> -> memref<2048xf32, #tpu.memory_space<hbm>>
      tpu.wait_dma2 semaphore(%arg11 : memref<!tpu.dma_semaphore, #tpu.memory_space<semaphore_mem>>) src(%dma_wait3A_117 : memref<2048xf32, #tpu.memory_space<hbm>>) dst(%arg8 : memref<2048xf32, #tpu.memory_space<vmem>>)
      %scan3A_118 = arith.constant 0 : i32
      %scan3A_119 = arith.constant 0 : i32
      %scan3A_120 = arith.constant 16 : i32
      %scan3A_121 = arith.addi %scan3A_119, %scan3A_120 : i32
      %scan3A_122 = arith.constant 1 : i32
      scf.for %scan3A_134 = %scan3A_119 to %scan3A_121 step %scan3A_122  : i32 {
        %mul3A_135 = arith.constant 128 : i32
        %mul3A_136 = arith.muli %scan3A_134, %mul3A_135 : i32
        %add3A_137 = arith.constant 0 : i32
        %add3A_138 = arith.addi %mul3A_136, %add3A_137 : i32
        %get3A = arith.index_cast %add3A_138 : i32 to index
        %get3A_139 = tpu.vector_load %arg7[%get3A] {strides = array<i32>} : memref<2048xi32, #tpu.memory_space<vmem>>, vector<16xi32>,
        %get3A_140 = arith.index_cast %add3A_138 : i32 to index
        %get3A_141 = tpu.vector_load %arg8[%get3A_140] {strides = array<i32>} : memref<2048xf32, #tpu.memory_space<vmem>>, vector<16xf32>,
        %sub3A_142 = vector.broadcast %mul3A_22 : i32 to vector<16xi32>
        %sub3A_143 = arith.subi %get3A_139, %sub3A_142 : vector<16xi32>
        %bitcast3A = vector.bitcast %sub3A_143 : vector<16xi32> to vector<16xi32>
        %min3A = arith.constant 90112 : i32
        %min3A_144 = vector.broadcast %min3A : i32 to vector<16xi32>
        %min3A_145 = arith.minui %bitcast3A, %min3A_144 : vector<16xi32>
        %bitcast3A_146 = vector.bitcast %min3A_145 : vector<16xi32> to vector<16xi32>
        tpu.vector_store_idx %arg9[%bitcast3A_146], %get3A_141 : memref<90128xf32, #tpu.memory_space<vmem>>[vector<16xi32>], vector<16xf32>,
        %mul3A_147 = arith.constant 128 : i32
        %mul3A_148 = arith.muli %scan3A_134, %mul3A_147 : i32
        %add3A_149 = arith.constant 16 : i32
        %add3A_150 = arith.addi %mul3A_148, %add3A_149 : i32
        %get3A_151 = arith.index_cast %add3A_150 : i32 to index
        %get3A_152 = tpu.vector_load %arg7[%get3A_151] {strides = array<i32>} : memref<2048xi32, #tpu.memory_space<vmem>>, vector<16xi32>,
        %get3A_153 = arith.index_cast %add3A_150 : i32 to index
        %get3A_154 = tpu.vector_load %arg8[%get3A_153] {strides = array<i32>} : memref<2048xf32, #tpu.memory_space<vmem>>, vector<16xf32>,
        %sub3A_155 = vector.broadcast %mul3A_22 : i32 to vector<16xi32>
        %sub3A_156 = arith.subi %get3A_152, %sub3A_155 : vector<16xi32>
        %bitcast3A_157 = vector.bitcast %sub3A_156 : vector<16xi32> to vector<16xi32>
        %min3A_158 = arith.constant 90112 : i32
        %min3A_159 = vector.broadcast %min3A_158 : i32 to vector<16xi32>
        %min3A_160 = arith.minui %bitcast3A_157, %min3A_159 : vector<16xi32>
        %bitcast3A_161 = vector.bitcast %min3A_160 : vector<16xi32> to vector<16xi32>
        tpu.vector_store_idx %arg9[%bitcast3A_161], %get3A_154 : memref<90128xf32, #tpu.memory_space<vmem>>[vector<16xi32>], vector<16xf32>,
        %mul3A_162 = arith.constant 128 : i32
        %mul3A_163 = arith.muli %scan3A_134, %mul3A_162 : i32
        %add3A_164 = arith.constant 32 : i32
        %add3A_165 = arith.addi %mul3A_163, %add3A_164 : i32
        %get3A_166 = arith.index_cast %add3A_165 : i32 to index
        %get3A_167 = tpu.vector_load %arg7[%get3A_166] {strides = array<i32>} : memref<2048xi32, #tpu.memory_space<vmem>>, vector<16xi32>,
        %get3A_168 = arith.index_cast %add3A_165 : i32 to index
        %get3A_169 = tpu.vector_load %arg8[%get3A_168] {strides = array<i32>} : memref<2048xf32, #tpu.memory_space<vmem>>, vector<16xf32>,
        %sub3A_170 = vector.broadcast %mul3A_22 : i32 to vector<16xi32>
        %sub3A_171 = arith.subi %get3A_167, %sub3A_170 : vector<16xi32>
        %bitcast3A_172 = vector.bitcast %sub3A_171 : vector<16xi32> to vector<16xi32>
        %min3A_173 = arith.constant 90112 : i32
        %min3A_174 = vector.broadcast %min3A_173 : i32 to vector<16xi32>
        %min3A_175 = arith.minui %bitcast3A_172, %min3A_174 : vector<16xi32>
        %bitcast3A_176 = vector.bitcast %min3A_175 : vector<16xi32> to vector<16xi32>
        tpu.vector_store_idx %arg9[%bitcast3A_176], %get3A_169 : memref<90128xf32, #tpu.memory_space<vmem>>[vector<16xi32>], vector<16xf32>,
        %mul3A_177 = arith.constant 128 : i32
        %mul3A_178 = arith.muli %scan3A_134, %mul3A_177 : i32
        %add3A_179 = arith.constant 48 : i32
        %add3A_180 = arith.addi %mul3A_178, %add3A_179 : i32
        %get3A_181 = arith.index_cast %add3A_180 : i32 to index
        %get3A_182 = tpu.vector_load %arg7[%get3A_181] {strides = array<i32>} : memref<2048xi32, #tpu.memory_space<vmem>>, vector<16xi32>,
        %get3A_183 = arith.index_cast %add3A_180 : i32 to index
        %get3A_184 = tpu.vector_load %arg8[%get3A_183] {strides = array<i32>} : memref<2048xf32, #tpu.memory_space<vmem>>, vector<16xf32>,
        %sub3A_185 = vector.broadcast %mul3A_22 : i32 to vector<16xi32>
        %sub3A_186 = arith.subi %get3A_182, %sub3A_185 : vector<16xi32>
        %bitcast3A_187 = vector.bitcast %sub3A_186 : vector<16xi32> to vector<16xi32>
        %min3A_188 = arith.constant 90112 : i32
        %min3A_189 = vector.broadcast %min3A_188 : i32 to vector<16xi32>
        %min3A_190 = arith.minui %bitcast3A_187, %min3A_189 : vector<16xi32>
        %bitcast3A_191 = vector.bitcast %min3A_190 : vector<16xi32> to vector<16xi32>
        tpu.vector_store_idx %arg9[%bitcast3A_191], %get3A_184 : memref<90128xf32, #tpu.memory_space<vmem>>[vector<16xi32>], vector<16xf32>,
        %mul3A_192 = arith.constant 128 : i32
        %mul3A_193 = arith.muli %scan3A_134, %mul3A_192 : i32
        %add3A_194 = arith.constant 64 : i32
        %add3A_195 = arith.addi %mul3A_193, %add3A_194 : i32
        %get3A_196 = arith.index_cast %add3A_195 : i32 to index
        %get3A_197 = tpu.vector_load %arg7[%get3A_196] {strides = array<i32>} : memref<2048xi32, #tpu.memory_space<vmem>>, vector<16xi32>,
        %get3A_198 = arith.index_cast %add3A_195 : i32 to index
        %get3A_199 = tpu.vector_load %arg8[%get3A_198] {strides = array<i32>} : memref<2048xf32, #tpu.memory_space<vmem>>, vector<16xf32>,
        %sub3A_200 = vector.broadcast %mul3A_22 : i32 to vector<16xi32>
        %sub3A_201 = arith.subi %get3A_197, %sub3A_200 : vector<16xi32>
        %bitcast3A_202 = vector.bitcast %sub3A_201 : vector<16xi32> to vector<16xi32>
        %min3A_203 = arith.constant 90112 : i32
        %min3A_204 = vector.broadcast %min3A_203 : i32 to vector<16xi32>
        %min3A_205 = arith.minui %bitcast3A_202, %min3A_204 : vector<16xi32>
        %bitcast3A_206 = vector.bitcast %min3A_205 : vector<16xi32> to vector<16xi32>
        tpu.vector_store_idx %arg9[%bitcast3A_206], %get3A_199 : memref<90128xf32, #tpu.memory_space<vmem>>[vector<16xi32>], vector<16xf32>,
        %mul3A_207 = arith.constant 128 : i32
        %mul3A_208 = arith.muli %scan3A_134, %mul3A_207 : i32
        %add3A_209 = arith.constant 80 : i32
        %add3A_210 = arith.addi %mul3A_208, %add3A_209 : i32
        %get3A_211 = arith.index_cast %add3A_210 : i32 to index
        %get3A_212 = tpu.vector_load %arg7[%get3A_211] {strides = array<i32>} : memref<2048xi32, #tpu.memory_space<vmem>>, vector<16xi32>,
        %get3A_213 = arith.index_cast %add3A_210 : i32 to index
        %get3A_214 = tpu.vector_load %arg8[%get3A_213] {strides = array<i32>} : memref<2048xf32, #tpu.memory_space<vmem>>, vector<16xf32>,
        %sub3A_215 = vector.broadcast %mul3A_22 : i32 to vector<16xi32>
        %sub3A_216 = arith.subi %get3A_212, %sub3A_215 : vector<16xi32>
        %bitcast3A_217 = vector.bitcast %sub3A_216 : vector<16xi32> to vector<16xi32>
        %min3A_218 = arith.constant 90112 : i32
        %min3A_219 = vector.broadcast %min3A_218 : i32 to vector<16xi32>
        %min3A_220 = arith.minui %bitcast3A_217, %min3A_219 : vector<16xi32>
        %bitcast3A_221 = vector.bitcast %min3A_220 : vector<16xi32> to vector<16xi32>
        tpu.vector_store_idx %arg9[%bitcast3A_221], %get3A_214 : memref<90128xf32, #tpu.memory_space<vmem>>[vector<16xi32>], vector<16xf32>,
        %mul3A_222 = arith.constant 128 : i32
        %mul3A_223 = arith.muli %scan3A_134, %mul3A_222 : i32
        %add3A_224 = arith.constant 96 : i32
        %add3A_225 = arith.addi %mul3A_223, %add3A_224 : i32
        %get3A_226 = arith.index_cast %add3A_225 : i32 to index
        %get3A_227 = tpu.vector_load %arg7[%get3A_226] {strides = array<i32>} : memref<2048xi32, #tpu.memory_space<vmem>>, vector<16xi32>,
        %get3A_228 = arith.index_cast %add3A_225 : i32 to index
        %get3A_229 = tpu.vector_load %arg8[%get3A_228] {strides = array<i32>} : memref<2048xf32, #tpu.memory_space<vmem>>, vector<16xf32>,
        %sub3A_230 = vector.broadcast %mul3A_22 : i32 to vector<16xi32>
        %sub3A_231 = arith.subi %get3A_227, %sub3A_230 : vector<16xi32>
        %bitcast3A_232 = vector.bitcast %sub3A_231 : vector<16xi32> to vector<16xi32>
        %min3A_233 = arith.constant 90112 : i32
        %min3A_234 = vector.broadcast %min3A_233 : i32 to vector<16xi32>
        %min3A_235 = arith.minui %bitcast3A_232, %min3A_234 : vector<16xi32>
        %bitcast3A_236 = vector.bitcast %min3A_235 : vector<16xi32> to vector<16xi32>
        tpu.vector_store_idx %arg9[%bitcast3A_236], %get3A_229 : memref<90128xf32, #tpu.memory_space<vmem>>[vector<16xi32>], vector<16xf32>,
        %mul3A_237 = arith.constant 128 : i32
        %mul3A_238 = arith.muli %scan3A_134, %mul3A_237 : i32
        %add3A_239 = arith.constant 112 : i32
        %add3A_240 = arith.addi %mul3A_238, %add3A_239 : i32
        %get3A_241 = arith.index_cast %add3A_240 : i32 to index
        %get3A_242 = tpu.vector_load %arg7[%get3A_241] {strides = array<i32>} : memref<2048xi32, #tpu.memory_space<vmem>>, vector<16xi32>,
        %get3A_243 = arith.index_cast %add3A_240 : i32 to index
        %get3A_244 = tpu.vector_load %arg8[%get3A_243] {strides = array<i32>} : memref<2048xf32, #tpu.memory_space<vmem>>, vector<16xf32>,
        %sub3A_245 = vector.broadcast %mul3A_22 : i32 to vector<16xi32>
        %sub3A_246 = arith.subi %get3A_242, %sub3A_245 : vector<16xi32>
        %bitcast3A_247 = vector.bitcast %sub3A_246 : vector<16xi32> to vector<16xi32>
        %min3A_248 = arith.constant 90112 : i32
        %min3A_249 = vector.broadcast %min3A_248 : i32 to vector<16xi32>
        %min3A_250 = arith.minui %bitcast3A_247, %min3A_249 : vector<16xi32>
        %bitcast3A_251 = vector.bitcast %min3A_250 : vector<16xi32> to vector<16xi32>
        tpu.vector_store_idx %arg9[%bitcast3A_251], %get3A_244 : memref<90128xf32, #tpu.memory_space<vmem>>[vector<16xi32>], vector<16xf32>,
      }
      %scan3A_123 = arith.constant 16 : i32
      %lt3A_124 = arith.constant 57 : i32
      %lt3A_125 = arith.cmpi slt, %scan3A_89, %lt3A_124 : i32
      %convert_element_type3A_126 = arith.extui %lt3A_125 : i1 to i32
      %cond3A_127 = arith.constant 0 : i32
      %cond3A_128 = arith.cmpi ne, %convert_element_type3A_126, %cond3A_127 : i32
      scf.if %cond3A_128 {
        %mul3A_134 = arith.constant 2 : i32
        %mul3A_135 = arith.muli %mul3A_134, %scan3A_89 : i32
        %add3A_136 = arith.constant 3 : i32
        %add3A_137 = arith.addi %mul3A_135, %add3A_136 : i32
        %mul3A_138 = arith.constant 2048 : i32
        %mul3A_139 = arith.muli %add3A_137, %mul3A_138 : i32
        %add3A_140 = arith.addi %mul3A_24, %mul3A_139 : i32
        %dma_start3A_141 = tpu.memref_slice %arg2[%add3A_140] : memref<2880000xi32, #tpu.memory_space<hbm>> -> memref<2048xi32, #tpu.memory_space<hbm>>
        %dma_start3A_142 = tpu.memref_slice %arg2[%add3A_140] : memref<2880000xi32, #tpu.memory_space<hbm>> -> memref<2048xi32, #tpu.memory_space<hbm>>
        tpu.enqueue_dma source(%dma_start3A_142 : memref<2048xi32, #tpu.memory_space<hbm>>) target(%arg7 : memref<2048xi32, #tpu.memory_space<vmem>>) target_semaphore(%arg11 : memref<!tpu.dma_semaphore, #tpu.memory_space<semaphore_mem>>)
        %mul3A_143 = arith.constant 2048 : i32
        %mul3A_144 = arith.muli %add3A_137, %mul3A_143 : i32
        %add3A_145 = arith.addi %mul3A_24, %mul3A_144 : i32
        %dma_start3A_146 = tpu.memref_slice %arg3[%add3A_145] : memref<2880000xf32, #tpu.memory_space<hbm>> -> memref<2048xf32, #tpu.memory_space<hbm>>
        %dma_start3A_147 = tpu.memref_slice %arg3[%add3A_145] : memref<2880000xf32, #tpu.memory_space<hbm>> -> memref<2048xf32, #tpu.memory_space<hbm>>
        tpu.enqueue_dma source(%dma_start3A_147 : memref<2048xf32, #tpu.memory_space<hbm>>) target(%arg8 : memref<2048xf32, #tpu.memory_space<vmem>>) target_semaphore(%arg11 : memref<!tpu.dma_semaphore, #tpu.memory_space<semaphore_mem>>)
      } else {
      }
      %eq3A_129 = arith.constant 57 : i32
      %eq3A_130 = arith.cmpi eq, %scan3A_89, %eq3A_129 : i32
      %convert_element_type3A_131 = arith.extui %eq3A_130 : i1 to i32
      %cond3A_132 = arith.constant 0 : i32
      %cond3A_133 = arith.cmpi ne, %convert_element_type3A_131, %cond3A_132 : i32
      scf.if %cond3A_133 {
        %add3A_134 = arith.constant 239616 : i32
        %add3A_135 = arith.addi %mul3A_24, %add3A_134 : i32
        %dma_start3A_136 = arith.constant 0 : i32
        %dma_start3A_137 = tpu.memref_slice %arg7[%dma_start3A_136] : memref<2048xi32, #tpu.memory_space<vmem>> -> memref<384xi32, #tpu.memory_space<vmem>>
        %dma_start3A_138 = tpu.memref_slice %arg2[%add3A_135] : memref<2880000xi32, #tpu.memory_space<hbm>> -> memref<384xi32, #tpu.memory_space<hbm>>
        %dma_start3A_139 = arith.constant 0 : i32
        %dma_start3A_140 = tpu.memref_slice %arg7[%dma_start3A_139] : memref<2048xi32, #tpu.memory_space<vmem>> -> memref<384xi32, #tpu.memory_space<vmem>>
        %dma_start3A_141 = tpu.memref_slice %arg2[%add3A_135] : memref<2880000xi32, #tpu.memory_space<hbm>> -> memref<384xi32, #tpu.memory_space<hbm>>
        tpu.enqueue_dma source(%dma_start3A_141 : memref<384xi32, #tpu.memory_space<hbm>>) target(%dma_start3A_140 : memref<384xi32, #tpu.memory_space<vmem>>) target_semaphore(%arg11 : memref<!tpu.dma_semaphore, #tpu.memory_space<semaphore_mem>>)
        %add3A_142 = arith.constant 239616 : i32
        %add3A_143 = arith.addi %mul3A_24, %add3A_142 : i32
        %dma_start3A_144 = arith.constant 0 : i32
        %dma_start3A_145 = tpu.memref_slice %arg8[%dma_start3A_144] : memref<2048xf32, #tpu.memory_space<vmem>> -> memref<384xf32, #tpu.memory_space<vmem>>
        %dma_start3A_146 = tpu.memref_slice %arg3[%add3A_143] : memref<2880000xf32, #tpu.memory_space<hbm>> -> memref<384xf32, #tpu.memory_space<hbm>>
        %dma_start3A_147 = arith.constant 0 : i32
        %dma_start3A_148 = tpu.memref_slice %arg8[%dma_start3A_147] : memref<2048xf32, #tpu.memory_space<vmem>> -> memref<384xf32, #tpu.memory_space<vmem>>
        %dma_start3A_149 = tpu.memref_slice %arg3[%add3A_143] : memref<2880000xf32, #tpu.memory_space<hbm>> -> memref<384xf32, #tpu.memory_space<hbm>>
        tpu.enqueue_dma source(%dma_start3A_149 : memref<384xf32, #tpu.memory_space<hbm>>) target(%dma_start3A_148 : memref<384xf32, #tpu.memory_space<vmem>>) target_semaphore(%arg11 : memref<!tpu.dma_semaphore, #tpu.memory_space<semaphore_mem>>)
      } else {
      }
    }
    %scan3A_50 = arith.constant 58 : i32
    %dma_wait3A = arith.constant 0 : i32
    %dma_wait3A_51 = tpu.memref_slice %arg2[%dma_wait3A] : memref<2880000xi32, #tpu.memory_space<hbm>> -> memref<2048xi32, #tpu.memory_space<hbm>>
    %dma_wait3A_52 = arith.constant 0 : i32
    %dma_wait3A_53 = tpu.memref_slice %arg2[%dma_wait3A_52] : memref<2880000xi32, #tpu.memory_space<hbm>> -> memref<2048xi32, #tpu.memory_space<hbm>>
    tpu.wait_dma2 semaphore(%arg10 : memref<!tpu.dma_semaphore, #tpu.memory_space<semaphore_mem>>) src(%dma_wait3A_53 : memref<2048xi32, #tpu.memory_space<hbm>>) dst(%arg5 : memref<2048xi32, #tpu.memory_space<vmem>>)
    %dma_wait3A_54 = arith.constant 0 : i32
    %dma_wait3A_55 = tpu.memref_slice %arg3[%dma_wait3A_54] : memref<2880000xf32, #tpu.memory_space<hbm>> -> memref<2048xf32, #tpu.memory_space<hbm>>
    %dma_wait3A_56 = arith.constant 0 : i32
    %dma_wait3A_57 = tpu.memref_slice %arg3[%dma_wait3A_56] : memref<2880000xf32, #tpu.memory_space<hbm>> -> memref<2048xf32, #tpu.memory_space<hbm>>
    tpu.wait_dma2 semaphore(%arg10 : memref<!tpu.dma_semaphore, #tpu.memory_space<semaphore_mem>>) src(%dma_wait3A_57 : memref<2048xf32, #tpu.memory_space<hbm>>) dst(%arg6 : memref<2048xf32, #tpu.memory_space<vmem>>)
    %scan3A_58 = arith.constant 0 : i32
    %scan3A_59 = arith.constant 0 : i32
    %scan3A_60 = arith.constant 16 : i32
    %scan3A_61 = arith.addi %scan3A_59, %scan3A_60 : i32
    %scan3A_62 = arith.constant 1 : i32
    scf.for %scan3A_89 = %scan3A_59 to %scan3A_61 step %scan3A_62  : i32 {
      %mul3A_90 = arith.constant 128 : i32
      %mul3A_91 = arith.muli %scan3A_89, %mul3A_90 : i32
      %add3A_92 = arith.constant 0 : i32
      %add3A_93 = arith.addi %mul3A_91, %add3A_92 : i32
      %get3A = arith.index_cast %add3A_93 : i32 to index
      %get3A_94 = tpu.vector_load %arg5[%get3A] {strides = array<i32>} : memref<2048xi32, #tpu.memory_space<vmem>>, vector<16xi32>,
      %get3A_95 = arith.index_cast %add3A_93 : i32 to index
      %get3A_96 = tpu.vector_load %arg6[%get3A_95] {strides = array<i32>} : memref<2048xf32, #tpu.memory_space<vmem>>, vector<16xf32>,
      %sub3A_97 = vector.broadcast %mul3A_22 : i32 to vector<16xi32>
      %sub3A_98 = arith.subi %get3A_94, %sub3A_97 : vector<16xi32>
      %bitcast3A = vector.bitcast %sub3A_98 : vector<16xi32> to vector<16xi32>
      %min3A = arith.constant 90112 : i32
      %min3A_99 = vector.broadcast %min3A : i32 to vector<16xi32>
      %min3A_100 = arith.minui %bitcast3A, %min3A_99 : vector<16xi32>
      %bitcast3A_101 = vector.bitcast %min3A_100 : vector<16xi32> to vector<16xi32>
      tpu.vector_store_idx %arg9[%bitcast3A_101], %get3A_96 : memref<90128xf32, #tpu.memory_space<vmem>>[vector<16xi32>], vector<16xf32>,
      %mul3A_102 = arith.constant 128 : i32
      %mul3A_103 = arith.muli %scan3A_89, %mul3A_102 : i32
      %add3A_104 = arith.constant 16 : i32
      %add3A_105 = arith.addi %mul3A_103, %add3A_104 : i32
      %get3A_106 = arith.index_cast %add3A_105 : i32 to index
      %get3A_107 = tpu.vector_load %arg5[%get3A_106] {strides = array<i32>} : memref<2048xi32, #tpu.memory_space<vmem>>, vector<16xi32>,
      %get3A_108 = arith.index_cast %add3A_105 : i32 to index
      %get3A_109 = tpu.vector_load %arg6[%get3A_108] {strides = array<i32>} : memref<2048xf32, #tpu.memory_space<vmem>>, vector<16xf32>,
      %sub3A_110 = vector.broadcast %mul3A_22 : i32 to vector<16xi32>
      %sub3A_111 = arith.subi %get3A_107, %sub3A_110 : vector<16xi32>
      %bitcast3A_112 = vector.bitcast %sub3A_111 : vector<16xi32> to vector<16xi32>
      %min3A_113 = arith.constant 90112 : i32
      %min3A_114 = vector.broadcast %min3A_113 : i32 to vector<16xi32>
      %min3A_115 = arith.minui %bitcast3A_112, %min3A_114 : vector<16xi32>
      %bitcast3A_116 = vector.bitcast %min3A_115 : vector<16xi32> to vector<16xi32>
      tpu.vector_store_idx %arg9[%bitcast3A_116], %get3A_109 : memref<90128xf32, #tpu.memory_space<vmem>>[vector<16xi32>], vector<16xf32>,
      %mul3A_117 = arith.constant 128 : i32
      %mul3A_118 = arith.muli %scan3A_89, %mul3A_117 : i32
      %add3A_119 = arith.constant 32 : i32
      %add3A_120 = arith.addi %mul3A_118, %add3A_119 : i32
      %get3A_121 = arith.index_cast %add3A_120 : i32 to index
      %get3A_122 = tpu.vector_load %arg5[%get3A_121] {strides = array<i32>} : memref<2048xi32, #tpu.memory_space<vmem>>, vector<16xi32>,
      %get3A_123 = arith.index_cast %add3A_120 : i32 to index
      %get3A_124 = tpu.vector_load %arg6[%get3A_123] {strides = array<i32>} : memref<2048xf32, #tpu.memory_space<vmem>>, vector<16xf32>,
      %sub3A_125 = vector.broadcast %mul3A_22 : i32 to vector<16xi32>
      %sub3A_126 = arith.subi %get3A_122, %sub3A_125 : vector<16xi32>
      %bitcast3A_127 = vector.bitcast %sub3A_126 : vector<16xi32> to vector<16xi32>
      %min3A_128 = arith.constant 90112 : i32
      %min3A_129 = vector.broadcast %min3A_128 : i32 to vector<16xi32>
      %min3A_130 = arith.minui %bitcast3A_127, %min3A_129 : vector<16xi32>
      %bitcast3A_131 = vector.bitcast %min3A_130 : vector<16xi32> to vector<16xi32>
      tpu.vector_store_idx %arg9[%bitcast3A_131], %get3A_124 : memref<90128xf32, #tpu.memory_space<vmem>>[vector<16xi32>], vector<16xf32>,
      %mul3A_132 = arith.constant 128 : i32
      %mul3A_133 = arith.muli %scan3A_89, %mul3A_132 : i32
      %add3A_134 = arith.constant 48 : i32
      %add3A_135 = arith.addi %mul3A_133, %add3A_134 : i32
      %get3A_136 = arith.index_cast %add3A_135 : i32 to index
      %get3A_137 = tpu.vector_load %arg5[%get3A_136] {strides = array<i32>} : memref<2048xi32, #tpu.memory_space<vmem>>, vector<16xi32>,
      %get3A_138 = arith.index_cast %add3A_135 : i32 to index
      %get3A_139 = tpu.vector_load %arg6[%get3A_138] {strides = array<i32>} : memref<2048xf32, #tpu.memory_space<vmem>>, vector<16xf32>,
      %sub3A_140 = vector.broadcast %mul3A_22 : i32 to vector<16xi32>
      %sub3A_141 = arith.subi %get3A_137, %sub3A_140 : vector<16xi32>
      %bitcast3A_142 = vector.bitcast %sub3A_141 : vector<16xi32> to vector<16xi32>
      %min3A_143 = arith.constant 90112 : i32
      %min3A_144 = vector.broadcast %min3A_143 : i32 to vector<16xi32>
      %min3A_145 = arith.minui %bitcast3A_142, %min3A_144 : vector<16xi32>
      %bitcast3A_146 = vector.bitcast %min3A_145 : vector<16xi32> to vector<16xi32>
      tpu.vector_store_idx %arg9[%bitcast3A_146], %get3A_139 : memref<90128xf32, #tpu.memory_space<vmem>>[vector<16xi32>], vector<16xf32>,
      %mul3A_147 = arith.constant 128 : i32
      %mul3A_148 = arith.muli %scan3A_89, %mul3A_147 : i32
      %add3A_149 = arith.constant 64 : i32
      %add3A_150 = arith.addi %mul3A_148, %add3A_149 : i32
      %get3A_151 = arith.index_cast %add3A_150 : i32 to index
      %get3A_152 = tpu.vector_load %arg5[%get3A_151] {strides = array<i32>} : memref<2048xi32, #tpu.memory_space<vmem>>, vector<16xi32>,
      %get3A_153 = arith.index_cast %add3A_150 : i32 to index
      %get3A_154 = tpu.vector_load %arg6[%get3A_153] {strides = array<i32>} : memref<2048xf32, #tpu.memory_space<vmem>>, vector<16xf32>,
      %sub3A_155 = vector.broadcast %mul3A_22 : i32 to vector<16xi32>
      %sub3A_156 = arith.subi %get3A_152, %sub3A_155 : vector<16xi32>
      %bitcast3A_157 = vector.bitcast %sub3A_156 : vector<16xi32> to vector<16xi32>
      %min3A_158 = arith.constant 90112 : i32
      %min3A_159 = vector.broadcast %min3A_158 : i32 to vector<16xi32>
      %min3A_160 = arith.minui %bitcast3A_157, %min3A_159 : vector<16xi32>
      %bitcast3A_161 = vector.bitcast %min3A_160 : vector<16xi32> to vector<16xi32>
      tpu.vector_store_idx %arg9[%bitcast3A_161], %get3A_154 : memref<90128xf32, #tpu.memory_space<vmem>>[vector<16xi32>], vector<16xf32>,
      %mul3A_162 = arith.constant 128 : i32
      %mul3A_163 = arith.muli %scan3A_89, %mul3A_162 : i32
      %add3A_164 = arith.constant 80 : i32
      %add3A_165 = arith.addi %mul3A_163, %add3A_164 : i32
      %get3A_166 = arith.index_cast %add3A_165 : i32 to index
      %get3A_167 = tpu.vector_load %arg5[%get3A_166] {strides = array<i32>} : memref<2048xi32, #tpu.memory_space<vmem>>, vector<16xi32>,
      %get3A_168 = arith.index_cast %add3A_165 : i32 to index
      %get3A_169 = tpu.vector_load %arg6[%get3A_168] {strides = array<i32>} : memref<2048xf32, #tpu.memory_space<vmem>>, vector<16xf32>,
      %sub3A_170 = vector.broadcast %mul3A_22 : i32 to vector<16xi32>
      %sub3A_171 = arith.subi %get3A_167, %sub3A_170 : vector<16xi32>
      %bitcast3A_172 = vector.bitcast %sub3A_171 : vector<16xi32> to vector<16xi32>
      %min3A_173 = arith.constant 90112 : i32
      %min3A_174 = vector.broadcast %min3A_173 : i32 to vector<16xi32>
      %min3A_175 = arith.minui %bitcast3A_172, %min3A_174 : vector<16xi32>
      %bitcast3A_176 = vector.bitcast %min3A_175 : vector<16xi32> to vector<16xi32>
      tpu.vector_store_idx %arg9[%bitcast3A_176], %get3A_169 : memref<90128xf32, #tpu.memory_space<vmem>>[vector<16xi32>], vector<16xf32>,
      %mul3A_177 = arith.constant 128 : i32
      %mul3A_178 = arith.muli %scan3A_89, %mul3A_177 : i32
      %add3A_179 = arith.constant 96 : i32
      %add3A_180 = arith.addi %mul3A_178, %add3A_179 : i32
      %get3A_181 = arith.index_cast %add3A_180 : i32 to index
      %get3A_182 = tpu.vector_load %arg5[%get3A_181] {strides = array<i32>} : memref<2048xi32, #tpu.memory_space<vmem>>, vector<16xi32>,
      %get3A_183 = arith.index_cast %add3A_180 : i32 to index
      %get3A_184 = tpu.vector_load %arg6[%get3A_183] {strides = array<i32>} : memref<2048xf32, #tpu.memory_space<vmem>>, vector<16xf32>,
      %sub3A_185 = vector.broadcast %mul3A_22 : i32 to vector<16xi32>
      %sub3A_186 = arith.subi %get3A_182, %sub3A_185 : vector<16xi32>
      %bitcast3A_187 = vector.bitcast %sub3A_186 : vector<16xi32> to vector<16xi32>
      %min3A_188 = arith.constant 90112 : i32
      %min3A_189 = vector.broadcast %min3A_188 : i32 to vector<16xi32>
      %min3A_190 = arith.minui %bitcast3A_187, %min3A_189 : vector<16xi32>
      %bitcast3A_191 = vector.bitcast %min3A_190 : vector<16xi32> to vector<16xi32>
      tpu.vector_store_idx %arg9[%bitcast3A_191], %get3A_184 : memref<90128xf32, #tpu.memory_space<vmem>>[vector<16xi32>], vector<16xf32>,
      %mul3A_192 = arith.constant 128 : i32
      %mul3A_193 = arith.muli %scan3A_89, %mul3A_192 : i32
      %add3A_194 = arith.constant 112 : i32
      %add3A_195 = arith.addi %mul3A_193, %add3A_194 : i32
      %get3A_196 = arith.index_cast %add3A_195 : i32 to index
      %get3A_197 = tpu.vector_load %arg5[%get3A_196] {strides = array<i32>} : memref<2048xi32, #tpu.memory_space<vmem>>, vector<16xi32>,
      %get3A_198 = arith.index_cast %add3A_195 : i32 to index
      %get3A_199 = tpu.vector_load %arg6[%get3A_198] {strides = array<i32>} : memref<2048xf32, #tpu.memory_space<vmem>>, vector<16xf32>,
      %sub3A_200 = vector.broadcast %mul3A_22 : i32 to vector<16xi32>
      %sub3A_201 = arith.subi %get3A_197, %sub3A_200 : vector<16xi32>
      %bitcast3A_202 = vector.bitcast %sub3A_201 : vector<16xi32> to vector<16xi32>
      %min3A_203 = arith.constant 90112 : i32
      %min3A_204 = vector.broadcast %min3A_203 : i32 to vector<16xi32>
      %min3A_205 = arith.minui %bitcast3A_202, %min3A_204 : vector<16xi32>
      %bitcast3A_206 = vector.bitcast %min3A_205 : vector<16xi32> to vector<16xi32>
      tpu.vector_store_idx %arg9[%bitcast3A_206], %get3A_199 : memref<90128xf32, #tpu.memory_space<vmem>>[vector<16xi32>], vector<16xf32>,
    }
    %scan3A_63 = arith.constant 16 : i32
    %dma_wait3A_64 = arith.constant 0 : i32
    %dma_wait3A_65 = tpu.memref_slice %arg7[%dma_wait3A_64] : memref<2048xi32, #tpu.memory_space<vmem>> -> memref<384xi32, #tpu.memory_space<vmem>>
    %dma_wait3A_66 = arith.constant 0 : i32
    %dma_wait3A_67 = tpu.memref_slice %arg2[%dma_wait3A_66] : memref<2880000xi32, #tpu.memory_space<hbm>> -> memref<384xi32, #tpu.memory_space<hbm>>
    %dma_wait3A_68 = arith.constant 0 : i32
    %dma_wait3A_69 = tpu.memref_slice %arg7[%dma_wait3A_68] : memref<2048xi32, #tpu.memory_space<vmem>> -> memref<384xi32, #tpu.memory_space<vmem>>
    %dma_wait3A_70 = arith.constant 0 : i32
    %dma_wait3A_71 = tpu.memref_slice %arg2[%dma_wait3A_70] : memref<2880000xi32, #tpu.memory_space<hbm>> -> memref<384xi32, #tpu.memory_space<hbm>>
    tpu.wait_dma2 semaphore(%arg11 : memref<!tpu.dma_semaphore, #tpu.memory_space<semaphore_mem>>) src(%dma_wait3A_71 : memref<384xi32, #tpu.memory_space<hbm>>) dst(%dma_wait3A_69 : memref<384xi32, #tpu.memory_space<vmem>>)
    %dma_wait3A_72 = arith.constant 0 : i32
    %dma_wait3A_73 = tpu.memref_slice %arg8[%dma_wait3A_72] : memref<2048xf32, #tpu.memory_space<vmem>> -> memref<384xf32, #tpu.memory_space<vmem>>
    %dma_wait3A_74 = arith.constant 0 : i32
    %dma_wait3A_75 = tpu.memref_slice %arg3[%dma_wait3A_74] : memref<2880000xf32, #tpu.memory_space<hbm>> -> memref<384xf32, #tpu.memory_space<hbm>>
    %dma_wait3A_76 = arith.constant 0 : i32
    %dma_wait3A_77 = tpu.memref_slice %arg8[%dma_wait3A_76] : memref<2048xf32, #tpu.memory_space<vmem>> -> memref<384xf32, #tpu.memory_space<vmem>>
    %dma_wait3A_78 = arith.constant 0 : i32
    %dma_wait3A_79 = tpu.memref_slice %arg3[%dma_wait3A_78] : memref<2880000xf32, #tpu.memory_space<hbm>> -> memref<384xf32, #tpu.memory_space<hbm>>
    tpu.wait_dma2 semaphore(%arg11 : memref<!tpu.dma_semaphore, #tpu.memory_space<semaphore_mem>>) src(%dma_wait3A_79 : memref<384xf32, #tpu.memory_space<hbm>>) dst(%dma_wait3A_77 : memref<384xf32, #tpu.memory_space<vmem>>)
    %scan3A_80 = arith.constant 0 : i32
    %scan3A_81 = arith.constant 0 : i32
    %scan3A_82 = arith.constant 3 : i32
    %scan3A_83 = arith.addi %scan3A_81, %scan3A_82 : i32
    %scan3A_84 = arith.constant 1 : i32
    scf.for %scan3A_89 = %scan3A_81 to %scan3A_83 step %scan3A_84  : i32 {
      %mul3A_90 = arith.constant 128 : i32
      %mul3A_91 = arith.muli %scan3A_89, %mul3A_90 : i32
      %add3A_92 = arith.constant 0 : i32
      %add3A_93 = arith.addi %mul3A_91, %add3A_92 : i32
      %get3A = arith.index_cast %add3A_93 : i32 to index
      %get3A_94 = tpu.vector_load %arg7[%get3A] {strides = array<i32>} : memref<2048xi32, #tpu.memory_space<vmem>>, vector<16xi32>,
      %get3A_95 = arith.index_cast %add3A_93 : i32 to index
      %get3A_96 = tpu.vector_load %arg8[%get3A_95] {strides = array<i32>} : memref<2048xf32, #tpu.memory_space<vmem>>, vector<16xf32>,
      %sub3A_97 = vector.broadcast %mul3A_22 : i32 to vector<16xi32>
      %sub3A_98 = arith.subi %get3A_94, %sub3A_97 : vector<16xi32>
      %bitcast3A = vector.bitcast %sub3A_98 : vector<16xi32> to vector<16xi32>
      %min3A = arith.constant 90112 : i32
      %min3A_99 = vector.broadcast %min3A : i32 to vector<16xi32>
      %min3A_100 = arith.minui %bitcast3A, %min3A_99 : vector<16xi32>
      %bitcast3A_101 = vector.bitcast %min3A_100 : vector<16xi32> to vector<16xi32>
      tpu.vector_store_idx %arg9[%bitcast3A_101], %get3A_96 : memref<90128xf32, #tpu.memory_space<vmem>>[vector<16xi32>], vector<16xf32>,
      %mul3A_102 = arith.constant 128 : i32
      %mul3A_103 = arith.muli %scan3A_89, %mul3A_102 : i32
      %add3A_104 = arith.constant 16 : i32
      %add3A_105 = arith.addi %mul3A_103, %add3A_104 : i32
      %get3A_106 = arith.index_cast %add3A_105 : i32 to index
      %get3A_107 = tpu.vector_load %arg7[%get3A_106] {strides = array<i32>} : memref<2048xi32, #tpu.memory_space<vmem>>, vector<16xi32>,
      %get3A_108 = arith.index_cast %add3A_105 : i32 to index
      %get3A_109 = tpu.vector_load %arg8[%get3A_108] {strides = array<i32>} : memref<2048xf32, #tpu.memory_space<vmem>>, vector<16xf32>,
      %sub3A_110 = vector.broadcast %mul3A_22 : i32 to vector<16xi32>
      %sub3A_111 = arith.subi %get3A_107, %sub3A_110 : vector<16xi32>
      %bitcast3A_112 = vector.bitcast %sub3A_111 : vector<16xi32> to vector<16xi32>
      %min3A_113 = arith.constant 90112 : i32
      %min3A_114 = vector.broadcast %min3A_113 : i32 to vector<16xi32>
      %min3A_115 = arith.minui %bitcast3A_112, %min3A_114 : vector<16xi32>
      %bitcast3A_116 = vector.bitcast %min3A_115 : vector<16xi32> to vector<16xi32>
      tpu.vector_store_idx %arg9[%bitcast3A_116], %get3A_109 : memref<90128xf32, #tpu.memory_space<vmem>>[vector<16xi32>], vector<16xf32>,
      %mul3A_117 = arith.constant 128 : i32
      %mul3A_118 = arith.muli %scan3A_89, %mul3A_117 : i32
      %add3A_119 = arith.constant 32 : i32
      %add3A_120 = arith.addi %mul3A_118, %add3A_119 : i32
      %get3A_121 = arith.index_cast %add3A_120 : i32 to index
      %get3A_122 = tpu.vector_load %arg7[%get3A_121] {strides = array<i32>} : memref<2048xi32, #tpu.memory_space<vmem>>, vector<16xi32>,
      %get3A_123 = arith.index_cast %add3A_120 : i32 to index
      %get3A_124 = tpu.vector_load %arg8[%get3A_123] {strides = array<i32>} : memref<2048xf32, #tpu.memory_space<vmem>>, vector<16xf32>,
      %sub3A_125 = vector.broadcast %mul3A_22 : i32 to vector<16xi32>
      %sub3A_126 = arith.subi %get3A_122, %sub3A_125 : vector<16xi32>
      %bitcast3A_127 = vector.bitcast %sub3A_126 : vector<16xi32> to vector<16xi32>
      %min3A_128 = arith.constant 90112 : i32
      %min3A_129 = vector.broadcast %min3A_128 : i32 to vector<16xi32>
      %min3A_130 = arith.minui %bitcast3A_127, %min3A_129 : vector<16xi32>
      %bitcast3A_131 = vector.bitcast %min3A_130 : vector<16xi32> to vector<16xi32>
      tpu.vector_store_idx %arg9[%bitcast3A_131], %get3A_124 : memref<90128xf32, #tpu.memory_space<vmem>>[vector<16xi32>], vector<16xf32>,
      %mul3A_132 = arith.constant 128 : i32
      %mul3A_133 = arith.muli %scan3A_89, %mul3A_132 : i32
      %add3A_134 = arith.constant 48 : i32
      %add3A_135 = arith.addi %mul3A_133, %add3A_134 : i32
      %get3A_136 = arith.index_cast %add3A_135 : i32 to index
      %get3A_137 = tpu.vector_load %arg7[%get3A_136] {strides = array<i32>} : memref<2048xi32, #tpu.memory_space<vmem>>, vector<16xi32>,
      %get3A_138 = arith.index_cast %add3A_135 : i32 to index
      %get3A_139 = tpu.vector_load %arg8[%get3A_138] {strides = array<i32>} : memref<2048xf32, #tpu.memory_space<vmem>>, vector<16xf32>,
      %sub3A_140 = vector.broadcast %mul3A_22 : i32 to vector<16xi32>
      %sub3A_141 = arith.subi %get3A_137, %sub3A_140 : vector<16xi32>
      %bitcast3A_142 = vector.bitcast %sub3A_141 : vector<16xi32> to vector<16xi32>
      %min3A_143 = arith.constant 90112 : i32
      %min3A_144 = vector.broadcast %min3A_143 : i32 to vector<16xi32>
      %min3A_145 = arith.minui %bitcast3A_142, %min3A_144 : vector<16xi32>
      %bitcast3A_146 = vector.bitcast %min3A_145 : vector<16xi32> to vector<16xi32>
      tpu.vector_store_idx %arg9[%bitcast3A_146], %get3A_139 : memref<90128xf32, #tpu.memory_space<vmem>>[vector<16xi32>], vector<16xf32>,
      %mul3A_147 = arith.constant 128 : i32
      %mul3A_148 = arith.muli %scan3A_89, %mul3A_147 : i32
      %add3A_149 = arith.constant 64 : i32
      %add3A_150 = arith.addi %mul3A_148, %add3A_149 : i32
      %get3A_151 = arith.index_cast %add3A_150 : i32 to index
      %get3A_152 = tpu.vector_load %arg7[%get3A_151] {strides = array<i32>} : memref<2048xi32, #tpu.memory_space<vmem>>, vector<16xi32>,
      %get3A_153 = arith.index_cast %add3A_150 : i32 to index
      %get3A_154 = tpu.vector_load %arg8[%get3A_153] {strides = array<i32>} : memref<2048xf32, #tpu.memory_space<vmem>>, vector<16xf32>,
      %sub3A_155 = vector.broadcast %mul3A_22 : i32 to vector<16xi32>
      %sub3A_156 = arith.subi %get3A_152, %sub3A_155 : vector<16xi32>
      %bitcast3A_157 = vector.bitcast %sub3A_156 : vector<16xi32> to vector<16xi32>
      %min3A_158 = arith.constant 90112 : i32
      %min3A_159 = vector.broadcast %min3A_158 : i32 to vector<16xi32>
      %min3A_160 = arith.minui %bitcast3A_157, %min3A_159 : vector<16xi32>
      %bitcast3A_161 = vector.bitcast %min3A_160 : vector<16xi32> to vector<16xi32>
      tpu.vector_store_idx %arg9[%bitcast3A_161], %get3A_154 : memref<90128xf32, #tpu.memory_space<vmem>>[vector<16xi32>], vector<16xf32>,
      %mul3A_162 = arith.constant 128 : i32
      %mul3A_163 = arith.muli %scan3A_89, %mul3A_162 : i32
      %add3A_164 = arith.constant 80 : i32
      %add3A_165 = arith.addi %mul3A_163, %add3A_164 : i32
      %get3A_166 = arith.index_cast %add3A_165 : i32 to index
      %get3A_167 = tpu.vector_load %arg7[%get3A_166] {strides = array<i32>} : memref<2048xi32, #tpu.memory_space<vmem>>, vector<16xi32>,
      %get3A_168 = arith.index_cast %add3A_165 : i32 to index
      %get3A_169 = tpu.vector_load %arg8[%get3A_168] {strides = array<i32>} : memref<2048xf32, #tpu.memory_space<vmem>>, vector<16xf32>,
      %sub3A_170 = vector.broadcast %mul3A_22 : i32 to vector<16xi32>
      %sub3A_171 = arith.subi %get3A_167, %sub3A_170 : vector<16xi32>
      %bitcast3A_172 = vector.bitcast %sub3A_171 : vector<16xi32> to vector<16xi32>
      %min3A_173 = arith.constant 90112 : i32
      %min3A_174 = vector.broadcast %min3A_173 : i32 to vector<16xi32>
      %min3A_175 = arith.minui %bitcast3A_172, %min3A_174 : vector<16xi32>
      %bitcast3A_176 = vector.bitcast %min3A_175 : vector<16xi32> to vector<16xi32>
      tpu.vector_store_idx %arg9[%bitcast3A_176], %get3A_169 : memref<90128xf32, #tpu.memory_space<vmem>>[vector<16xi32>], vector<16xf32>,
      %mul3A_177 = arith.constant 128 : i32
      %mul3A_178 = arith.muli %scan3A_89, %mul3A_177 : i32
      %add3A_179 = arith.constant 96 : i32
      %add3A_180 = arith.addi %mul3A_178, %add3A_179 : i32
      %get3A_181 = arith.index_cast %add3A_180 : i32 to index
      %get3A_182 = tpu.vector_load %arg7[%get3A_181] {strides = array<i32>} : memref<2048xi32, #tpu.memory_space<vmem>>, vector<16xi32>,
      %get3A_183 = arith.index_cast %add3A_180 : i32 to index
      %get3A_184 = tpu.vector_load %arg8[%get3A_183] {strides = array<i32>} : memref<2048xf32, #tpu.memory_space<vmem>>, vector<16xf32>,
      %sub3A_185 = vector.broadcast %mul3A_22 : i32 to vector<16xi32>
      %sub3A_186 = arith.subi %get3A_182, %sub3A_185 : vector<16xi32>
      %bitcast3A_187 = vector.bitcast %sub3A_186 : vector<16xi32> to vector<16xi32>
      %min3A_188 = arith.constant 90112 : i32
      %min3A_189 = vector.broadcast %min3A_188 : i32 to vector<16xi32>
      %min3A_190 = arith.minui %bitcast3A_187, %min3A_189 : vector<16xi32>
      %bitcast3A_191 = vector.bitcast %min3A_190 : vector<16xi32> to vector<16xi32>
      tpu.vector_store_idx %arg9[%bitcast3A_191], %get3A_184 : memref<90128xf32, #tpu.memory_space<vmem>>[vector<16xi32>], vector<16xf32>,
      %mul3A_192 = arith.constant 128 : i32
      %mul3A_193 = arith.muli %scan3A_89, %mul3A_192 : i32
      %add3A_194 = arith.constant 112 : i32
      %add3A_195 = arith.addi %mul3A_193, %add3A_194 : i32
      %get3A_196 = arith.index_cast %add3A_195 : i32 to index
      %get3A_197 = tpu.vector_load %arg7[%get3A_196] {strides = array<i32>} : memref<2048xi32, #tpu.memory_space<vmem>>, vector<16xi32>,
      %get3A_198 = arith.index_cast %add3A_195 : i32 to index
      %get3A_199 = tpu.vector_load %arg8[%get3A_198] {strides = array<i32>} : memref<2048xf32, #tpu.memory_space<vmem>>, vector<16xf32>,
      %sub3A_200 = vector.broadcast %mul3A_22 : i32 to vector<16xi32>
      %sub3A_201 = arith.subi %get3A_197, %sub3A_200 : vector<16xi32>
      %bitcast3A_202 = vector.bitcast %sub3A_201 : vector<16xi32> to vector<16xi32>
      %min3A_203 = arith.constant 90112 : i32
      %min3A_204 = vector.broadcast %min3A_203 : i32 to vector<16xi32>
      %min3A_205 = arith.minui %bitcast3A_202, %min3A_204 : vector<16xi32>
      %bitcast3A_206 = vector.bitcast %min3A_205 : vector<16xi32> to vector<16xi32>
      tpu.vector_store_idx %arg9[%bitcast3A_206], %get3A_199 : memref<90128xf32, #tpu.memory_space<vmem>>[vector<16xi32>], vector<16xf32>,
    }
    %scan3A_85 = arith.constant 3 : i32
    %mul3A_86 = arith.constant 180224 : i32
    %mul3A_87 = arith.muli %select_n3A, %mul3A_86 : i32
    %add3A_88 = arith.addi %mul3A_87, %mul3A_22 : i32
    "tpu.region"() ({
      %run_scoped3A = tpu.sem_alloc : memref<!tpu.dma_semaphore, #tpu.memory_space<semaphore_mem>>
      %dma_start3A_89 = arith.constant 0 : i32
      %dma_start3A_90 = tpu.memref_slice %arg9[%dma_start3A_89] : memref<90128xf32, #tpu.memory_space<vmem>> -> memref<90112xf32, #tpu.memory_space<vmem>>
      %dma_start3A_91 = tpu.memref_slice %arg4[%add3A_88] : memref<2162688xf32, #tpu.memory_space<hbm>> -> memref<90112xf32, #tpu.memory_space<hbm>>
      %dma_start3A_92 = tpu.memref_slice %arg4[%add3A_88] : memref<2162688xf32, #tpu.memory_space<hbm>> -> memref<90112xf32, #tpu.memory_space<hbm>>
      %dma_start3A_93 = arith.constant 0 : i32
      %dma_start3A_94 = tpu.memref_slice %arg9[%dma_start3A_93] : memref<90128xf32, #tpu.memory_space<vmem>> -> memref<90112xf32, #tpu.memory_space<vmem>>
      tpu.enqueue_dma source(%dma_start3A_94 : memref<90112xf32, #tpu.memory_space<vmem>>) target(%dma_start3A_92 : memref<90112xf32, #tpu.memory_space<hbm>>) target_semaphore(%run_scoped3A : memref<!tpu.dma_semaphore, #tpu.memory_space<semaphore_mem>>)
      %dma_wait3A_95 = arith.constant 0 : i32
      %dma_wait3A_96 = tpu.memref_slice %arg9[%dma_wait3A_95] : memref<90128xf32, #tpu.memory_space<vmem>> -> memref<90112xf32, #tpu.memory_space<vmem>>
      %dma_wait3A_97 = tpu.memref_slice %arg4[%add3A_88] : memref<2162688xf32, #tpu.memory_space<hbm>> -> memref<90112xf32, #tpu.memory_space<hbm>>
      %dma_wait3A_98 = tpu.memref_slice %arg4[%add3A_88] : memref<2162688xf32, #tpu.memory_space<hbm>> -> memref<90112xf32, #tpu.memory_space<hbm>>
      %dma_wait3A_99 = arith.constant 0 : i32
      %dma_wait3A_100 = tpu.memref_slice %arg9[%dma_wait3A_99] : memref<90128xf32, #tpu.memory_space<vmem>> -> memref<90112xf32, #tpu.memory_space<vmem>>
      tpu.wait_dma2 semaphore(%run_scoped3A : memref<!tpu.dma_semaphore, #tpu.memory_space<semaphore_mem>>) src(%dma_wait3A_100 : memref<90112xf32, #tpu.memory_space<vmem>>) dst(%dma_wait3A_98 : memref<90112xf32, #tpu.memory_space<hbm>>)
      tpu.yield
    }) : () -> ()
    return
  }
}

module attributes {stable_mosaic.version = 14 : i64} {
  func.func @_pid_body(%arg0: i32, %arg1: memref<1x1875x128xf32, #tpu.memory_space<vmem>>, %arg2: memref<1x1875x128xf32, #tpu.memory_space<vmem>>, %arg3: memref<1x1875x128xi32, #tpu.memory_space<vmem>>) attributes {dimension_semantics = [#tpu.dimension_semantics<arbitrary>], iteration_bounds = array<i64: 12>, scalar_prefetch = 0 : i64, scratch_operands = 0 : i64, tpu.core_type = #tpu.core_type<tc>, window_params = [{transform_indices = @transform_0, window_bounds = array<i64: 1, 1875, 128>}, {transform_indices = @transform_1, window_bounds = array<i64: 1, 1875, 128>}, {transform_indices = @transform_2, window_bounds = array<i64: 1, 1875, 128>}]} {
    %get3A = arith.constant 0 : index
    %get3A_0 = arith.constant 0 : index
    %get3A_1 = arith.constant 0 : index
    %get3A_2 = vector.load %arg1[%get3A, %get3A_0, %get3A_1] : memref<1x1875x128xf32, #tpu.memory_space<vmem>>, vector<1x1875x128xf32>
    %get3A_3 = vector.shape_cast %get3A_2 : vector<1x1875x128xf32> to vector<1875x128xf32>
    %get3A_4 = arith.constant 0 : index
    %get3A_5 = arith.constant 0 : index
    %get3A_6 = arith.constant 0 : index
    %get3A_7 = vector.load %arg2[%get3A_4, %get3A_5, %get3A_6] : memref<1x1875x128xf32, #tpu.memory_space<vmem>>, vector<1x1875x128xf32>
    %get3A_8 = vector.shape_cast %get3A_7 : vector<1x1875x128xf32> to vector<1875x128xf32>
    %lt3A = arith.constant 2.560000e+02 : f32
    %lt3A_9 = vector.broadcast %lt3A : f32 to vector<1875x128xf32>
    %lt3A_10 = arith.cmpf olt, %get3A_3, %lt3A_9 : vector<1875x128xf32>
    %ge3A = arith.constant 0.000000e+00 : f32
    %ge3A_11 = vector.broadcast %ge3A : f32 to vector<1875x128xf32>
    %ge3A_12 = arith.cmpf oge, %get3A_3, %ge3A_11 : vector<1875x128xf32>
    %and3A = arith.andi %lt3A_10, %ge3A_12 : vector<1875x128xi1>
    %lt3A_13 = arith.constant 7.040000e+02 : f32
    %lt3A_14 = vector.broadcast %lt3A_13 : f32 to vector<1875x128xf32>
    %lt3A_15 = arith.cmpf olt, %get3A_8, %lt3A_14 : vector<1875x128xf32>
    %and3A_16 = arith.andi %and3A, %lt3A_15 : vector<1875x128xi1>
    %ge3A_17 = arith.constant 0.000000e+00 : f32
    %ge3A_18 = vector.broadcast %ge3A_17 : f32 to vector<1875x128xf32>
    %ge3A_19 = arith.cmpf oge, %get3A_8, %ge3A_18 : vector<1875x128xf32>
    %and3A_20 = arith.andi %and3A_16, %ge3A_19 : vector<1875x128xi1>
    %convert_element_type3A = arith.fptosi %get3A_3 : vector<1875x128xf32> to vector<1875x128xi32>
    %convert_element_type3A_21 = arith.fptosi %get3A_8 : vector<1875x128xf32> to vector<1875x128xi32>
    %mul3A = arith.constant 704 : i32
    %mul3A_22 = vector.broadcast %mul3A : i32 to vector<1875x128xi32>
    %mul3A_23 = arith.muli %convert_element_type3A, %mul3A_22 : vector<1875x128xi32>
    %add3A = arith.addi %mul3A_23, %convert_element_type3A_21 : vector<1875x128xi32>
    %jit3A = arith.constant 1073741823 : i32
    %broadcast_in_dim3A = vector.broadcast %jit3A : i32 to vector<1875x128xi32>
    %select_n3A = arith.select %and3A_20, %add3A, %broadcast_in_dim3A : vector<1875x128xi1>, vector<1875x128xi32>
    %swap3A = arith.constant 0 : index
    %swap3A_24 = arith.constant 0 : index
    %swap3A_25 = arith.constant 0 : index
    %swap3A_26 = vector.load %arg3[%swap3A, %swap3A_24, %swap3A_25] : memref<1x1875x128xi32, #tpu.memory_space<vmem>>, vector<1x1875x128xi32>
    %swap3A_27 = vector.shape_cast %swap3A_26 : vector<1x1875x128xi32> to vector<1875x128xi32>
    %swap3A_28 = vector.shape_cast %select_n3A : vector<1875x128xi32> to vector<1x1875x128xi32>
    tpu.vector_store %arg3[%swap3A, %swap3A_24, %swap3A_25], %swap3A_28 {strides = array<i32>} : memref<1x1875x128xi32, #tpu.memory_space<vmem>>, vector<1x1875x128xi32>,
    return
  }
  func.func @transform_0(%arg0: i32) -> (i32, i32, i32) {
    %c0_i32 = arith.constant 0 : i32
    %c0_i32_0 = arith.constant 0 : i32
    %c0_i32_1 = arith.constant 0 : i32
    return %arg0, %c0_i32, %c0_i32_0 : i32, i32, i32
  }
  func.func @transform_1(%arg0: i32) -> (i32, i32, i32) {
    %c0_i32 = arith.constant 0 : i32
    %c0_i32_0 = arith.constant 0 : i32
    %c0_i32_1 = arith.constant 0 : i32
    return %arg0, %c0_i32, %c0_i32_0 : i32, i32, i32
  }
  func.func @transform_2(%arg0: i32) -> (i32, i32, i32) {
    %c0_i32 = arith.constant 0 : i32
    %c0_i32_0 = arith.constant 0 : i32
    %c0_i32_1 = arith.constant 0 : i32
    return %arg0, %c0_i32, %c0_i32_0 : i32, i32, i32
  }
}

</mosaic_0001>

<sc_bundles>
// kernel: kernel.4.cloned.1.call-start
scs
__scs_entry_jumppad:
0x0: {  	(pc) =	sbr.rel $0x88, $3  }
0x1: {  	(tag) =	ssettag $0x0;
	lr =	simm.s32 $0x1  }
0x2: {  	[smem:$0x3F9D] =	sst lr;
	_ =	strace $0xD0000000  }
0x3: {  	_ = 	snop  }
0x4: {  	_ = 	snop  }
0x5: {  	_ = 	snop  }
0x6: {  	_ = 	snop  }
0x7: {  	_ = 	snop  }
__scs_overlays_trampoline_lowered:
0x8: {  	[smem:$0x3FAC] =	sst s0  }
0x9: {  	[smem:$0x3FAD] =	sst s1  }
0xa: {  	[smem:$0x3FAE] =	sst s2  }
0xb: {  	[smem:$0x3FAF] =	sst s3  }
0xc: {  	[smem:$0x3FB0] =	sst s4  }
0xd: {  	[smem:$0x3FB1] =	sst s5  }
0xe: {  	[smem:$0x3FB2] =	sst s6  }
0xf: {  	[smem:$0x3FB3] =	sst s7  }
0x10: {  	[smem:$0x3FB4] =	sst s8  }
0x11: {  	[smem:$0x3FB5] =	sst s9;
	s0 =	simm.s32 @!p0 $0x0  }
0x12: {  	s1 =	sld [smem:$0x3F9B];
	s0 =	simm.s32 @p0 $0x1  }
0x13: {  	[smem:$0x3FB6] =	sst s0;
	s0 =	simm.s32 @!p1 $0x0  }
0x14: {  	s2 =	sld [smem:$0x3F9A];
	s0 =	simm.s32 @p1 $0x1  }
0x15: {  	[smem:$0x3FB7] =	sst s0;
	s0 =	simm.s32 @!p2 $0x0  }
0x16: {  	s3 =	sld [smem:$0x3FDB];
	s0 =	simm.s32 @p2 $0x1  }
0x17: {  	s4 =	simm.s32 $0x1BF5;
	[smem:$0x3FB9] =	sst s0  }
0x18: {  	s0 =	sld [smem:$0x3F9C];
	_ =	swait.ge [sflag:s4], $0x0  }
0x19: {  	s7 =	sld [smem:$0x3F9D]  }
0x1a: {  	s8 =	sadd.s32 $0xFFFFE003, lr  }
0x1b: {  	s9 =	sadd.s32 $0xFFFFFEF7, lr;
	s5 =	simm.s32 $0xFFFFFFFF;
	p2 =	slt.u32 s8, $0xFFFFF086  }
0x1c: {  	p1 =	slt.u32 s9, $0xF7A;
	s5 =	simm.s32 @!p2 $0x0  }
0x1d: {  	s5 =	simm.s32 @p1 $0x1;
	p0 =	seq.s32 s7, s2  }
0x1e: {  	s7 =	smul.u32 @!p0 $0xF7A, s2;
	p2 =	seq.s32 @!p0 s5, $0x0  }
0x1f: {  	s9 =	smul.u32 $0xF7A, s1;
	s8 =	simm.s32 @!p0 $0x1BF5;
	p2 =	por !p2, p0  }
0x20: {  	[sflag:s8] =	ssyncset.s32 @!p0 $0xFFFFF086;
	s6 =	sadd.s32 @!p0 s3, s7;
	s7 =	simm.s32 @!p0 $0x108  }
0x21: {  	s3 =	sadd.s32 s3, s9;
	s6 =	sadd.s32 @!p0 $0x88, s6;
	s7 =	simm.s32 @p2 $0x1082  }
0x22: {  	[simem:s7], [sflag:s8] =	dma.local @!p0 [hbm:s6], $0xF7A  }
0x23: {  	s9 =	sor.u32 $0xD0000000, s2;
	s6 =	simm.s32 $0x108;
	_ =	swait.ge @!p0 [sflag:s8], $0x0  }
0x24: {  	s3 =	sadd.s32 $0x88, s3;
	s6 =	simm.s32 @!p1 $0x1082;
	[sflag:s4] =	ssyncset.s32 $0xFFFFF086  }
0x25: {  	[simem:s6], [sflag:s4] =	dma.local [hbm:s3], $0xF7A  }
0x26: {  	[smem:$0x3F9D] =	sst s1;
	(tag) =	ssettag s2;
	_ =	strace s9  }
0x27: {  	s1 =	sld [smem:$0x3FAD]  }
0x28: {  	s2 =	sld [smem:$0x3FAE]  }
0x29: {  	s4 =	sld [smem:$0x3FB0]  }
0x2a: {  	p0 =	seq.s32 s5, $0x0;
	s5 =	sld [smem:$0x3FB1]  }
0x2b: {  	s6 =	sld [smem:$0x3FB2]  }
0x2c: {  	s7 =	sld [smem:$0x3FB3]  }
0x2d: {  	s3 =	simm.s32 $0x108;
	s8 =	sld [smem:$0x3FB4]  }
0x2e: {  	s3 =	simm.s32 @!p0 $0x1082;
	s9 =	sld [smem:$0x3FB5]  }
0x2f: {  	lr =	sadd.s32 s0, s3;
	s0 =	sld [smem:$0x3FAC]  }
0x30: {  	s3 =	sld [smem:$0x3FAF]  }
0x31: {  	[smem:$0x3FB8] =	sst s10  }
0x32: {  	s10 =	sld [smem:$0x3FB6];
	_ =	sdelay $0x3  }
0x33: {  	p0 =	seq.s32 s10, $0x1;
	s10 =	sld [smem:$0x3FB8];
	_ =	sdelay $0x3  }
0x34: {  	[smem:$0x3FB8] =	sst s10  }
0x35: {  	s10 =	sld [smem:$0x3FB7];
	_ =	sdelay $0x3  }
0x36: {  	p1 =	seq.s32 s10, $0x1;
	s10 =	sld [smem:$0x3FB8];
	_ =	sdelay $0x3  }
0x37: {  	[smem:$0x3FB8] =	sst s10  }
0x38: {  	s10 =	sld [smem:$0x3FB9]  }
0x39: {  	_ = 	snop;
	(pc) =	sbr.ind lr, $3  }
0x3a: {  	_ = 	snop  }
0x3b: {  	_ = 	snop  }
0x3c: {  	p2 =	seq.s32 s10, $0x1;
	s10 =	sld [smem:$0x3FB8]  }
0x3d: {  	_ =	shalt  }
0x3e: {  	_ =	shalt  }
0x3f: {  	_ =	shalt  }
0x40: {  	_ =	shalt  }
0x41: {  	_ =	shalt  }
0x42: {  	_ =	shalt  }
0x43: {  	_ =	shalt  }
0x44: {  	_ =	shalt  }
0x45: {  	_ =	shalt  }
0x46: {  	_ =	shalt  }
0x47: {  	_ =	shalt  }
0x48: {  	_ =	shalt  }
0x49: {  	_ =	shalt  }
0x4a: {  	_ =	shalt  }
0x4b: {  	_ =	shalt  }
0x4c: {  	_ =	shalt  }
0x4d: {  	_ =	shalt  }
0x4e: {  	_ =	shalt  }
0x4f: {  	_ =	shalt  }
0x50: {  	_ =	shalt  }
0x51: {  	_ =	shalt  }
0x52: {  	_ =	shalt  }
0x53: {  	_ =	shalt  }
0x54: {  	_ =	shalt  }
0x55: {  	_ =	shalt  }
0x56: {  	_ =	shalt  }
0x57: {  	_ =	shalt  }
0x58: {  	_ =	shalt  }
0x59: {  	_ =	shalt  }
0x5a: {  	_ =	shalt  }
0x5b: {  	_ =	shalt  }
0x5c: {  	_ =	shalt  }
0x5d: {  	_ =	shalt  }
0x5e: {  	_ =	shalt  }
0x5f: {  	_ =	shalt  }
0x60: {  	_ =	shalt  }
0x61: {  	_ =	shalt  }
0x62: {  	_ =	shalt  }
0x63: {  	_ =	shalt  }
0x64: {  	_ =	shalt  }
0x65: {  	_ =	shalt  }
0x66: {  	_ =	shalt  }
0x67: {  	_ =	shalt  }
0x68: {  	_ =	shalt  }
0x69: {  	_ =	shalt  }
0x6a: {  	_ =	shalt  }
0x6b: {  	_ =	shalt  }
0x6c: {  	_ =	shalt  }
0x6d: {  	_ =	shalt  }
0x6e: {  	_ =	shalt  }
0x6f: {  	_ =	shalt  }
0x70: {  	_ =	shalt  }
0x71: {  	_ =	shalt  }
0x72: {  	_ =	shalt  }
0x73: {  	_ =	shalt  }
0x74: {  	_ =	shalt  }
0x75: {  	_ =	shalt  }
0x76: {  	_ =	shalt  }
0x77: {  	_ =	shalt  }
0x78: {  	_ =	shalt  }
0x79: {  	_ =	shalt  }
0x7a: {  	_ =	shalt  }
0x7b: {  	_ =	shalt  }
0x7c: {  	_ =	shalt  }
0x7d: {  	_ =	shalt  }
0x7e: {  	_ =	shalt  }
0x7f: {  	_ =	shalt  }
0x80: {  	_ =	shalt  }
0x81: {  	_ =	shalt  }
0x82: {  	_ =	shalt  }
0x83: {  	_ =	shalt  }
0x84: {  	_ =	shalt  }
0x85: {  	_ =	shalt  }
0x86: {  	_ =	shalt  }
0x87: {  	_ =	shalt  }
.Lfunc_end0:
.L_simem_size_0:
called_computation_lowered:
.L_overlay_start_0:
0x88: {  	s2 =	sld [smem:$0x3FD9]  }
0x89: {  	s3 =	sld [smem:$0x3FFE];
	_ =	sdelay $0x1  }
0x8a: {  	s1 =	srdreg.scid  }
0x8b: {  	s0 =	sand.u32 $0x1, s1  }
0x8c: {  	s17 =	sshll.u32 s0, $0xA;
	s2 =	sadd.s32 s3, s2  }
0x8d: {  	s2 =	sadd.s32 s2, s17  }
0x8e: {  	[smem:$0x3FC4] =	sst s2  }
0x8f: {  	_ = 	snop  }
0x90: {  	s2 =	sld [smem:$0x3FD0];
	(tm) =	ssettm $0x1  }
0x91: {  	s18 =	sld [smem:$0x3FFB];
	_ =	sdelay $0x3  }
0x92: {  	_ =	strace s18  }
0x93: {  	s3 =	sld [smem:$0x3FFC];
	_ =	sdelay $0x3  }
0x94: {  	_ =	strace s3  }
0x95: {  	s3 =	sld [smem:$0x3FFD];
	_ =	sdelay $0x3  }
0x96: {  	_ =	strace s3  }
0x97: {  	_ =	strace $0x8FFFFFFF  }
0x98: {  	s19 =	sld [smem:$0x3FDB];
	_ =	sdelay $0x1  }
0x99: {  	s4 =	simm.s32 $_scs_section_size  }
0x9a: {  	s5 =	simm.s32 $_size__tile_overlayer_lowered;
	s6 =	simm.s32 $_tile_overlayer_lowered  }
0x9b: {  	s22 =	simm.s32 $0x1BFF;
	s21 =	sshll.u32 s6, $0x1;
	s3 =	sadd.s32 s4, s19  }
0x9c: {  	s7 =	simm.s32 $0x0;
	s20 =	sshll.u32 s5, $0x1;
	s5 =	sadd.s32 s21, s3  }
0x9d: {  	[timem:s7], [sflag:s22] =	dma.local [hbm:s5], s20  }
0x9e: {  	_ =	swait.ge [sflag:s22], s20  }
0x9f: {  	s4 =	ssub.s32 $0x0, s20;
	[sflag:s22] =	ssyncset.done $0x0  }
0xa0: {  	[sflag:s22] =	ssyncadd.s32 s4;
	_ =	sdelay $0x1  }
0xa1: {  	s23 =	simm.s32 $0x1B8B  }
0xa2: {  	_ =	swait.ge [sflag:s23], $0x1  }
0xa3: {  	[sflag:s23] =	ssyncset.done $0x0  }
0xa4: {  	s25 =	simm.s32 $0x1B8E;
	s24 =	sld [smem:$0x3FFE];
	[sflag:s23] =	ssyncadd.s32 $0xFFFFFFFF  }
0xa5: {  	s26 =	simm.s32 $execute0_lowered;
	[smem:$0x3FD2] =	sst s25  }
0xa6: {  	s5 =	sshll.u32 s26, $0x1;
	_ =	strace $0x80000046;
	[dreg:$0x1] =	wrdreg $0xFFFFFFFF  }
0xa7: {  	s28 =	simm.s32 $_size_execute0_lowered;
	s3 =	sadd.s32 s3, s5;
	[dreg:$0x0] =	wrdreg $0x0  }
0xa8: {  	s5 =	sshll.u32 s28, $0x1;
	[dreg:$0x2] =	wrdreg s3  }
0xa9: {  	[dreg:$0x3] =	wrdreg s5  }
0xaa: {  	[dreg:$0x4] =	wrdreg $0xC0  }
0xab: {  	_ =	task [dreg:s7], $0x5FFFF  }
0xac: {  	[dreg:$0x1] =	wrdreg $0xFFFFFFFF  }
0xad: {  	[dreg:$0x0] =	wrdreg $0x60  }
0xae: {  	[dreg:$0x2] =	wrdreg s24  }
0xaf: {  	[dreg:$0x3] =	wrdreg s2  }
0xb0: {  	[dreg:$0x4] =	wrdreg $0x9  }
0xb1: {  	_ =	task.clear_ibuf [dreg:s7], $0x5FFFF;
	_ =	strace $0x90000046  }
0xb2: {  	s29 =	simm.s32 $0x9;
	_ =	strace $0x80000048  }
0xb3: {  	_ =	swait.ge [sflag:s29], $0x1  }
0xb4: {  	[sflag:s29] =	ssyncadd.s32 $0xFFFFFFFF  }
0xb5: {  	_ =	strace $0x90000048  }
0xb6: {  	_ =	sfence  }
0xb7: {  	s30 =	sld [smem:$0x0];
	_ =	sdelay $0x2  }
0xb8: {  	s31 =	sshll.u32 s1, $0xD;
	s1 =	sshrl.u32 s1, $0x2  }
0xb9: {  	s3 =	sand.u32 $0x4000, s31;
	s1 =	sadd.s32 s1, s30  }
0xba: {  	s0 =	sor.u32 s3, s0;
	s1 =	sshll.u32 s1, $0x11  }
0xbb: {  	s0 =	sor.u32 s1, s0  }
0xbc: {  	s0 =	sadd.s32 $0x8F2B, s0  }
0xbd: {  	[sflag:s0] =	ssyncadd.remote.s32 $0x1  }
0xbe: {  	_ =	sfence.sel $0xFFFF  }
0xbf: {  	[dreg:$0x0] =	wrdreg $0xFFFFFFFF;
	(pc) =	sbr.abs _section_cstart, $3  }
0xc0: {  	[dreg:$0x1] =	wrdreg $0xFFFFFFFF  }
0xc1: {  	_ =	task.clear_ibuf [dreg:s7], $0x2FFFF;
	_ =	strace $0x9FFFFFFF  }
0xc2: {  	(tm) =	ssettm $0x7FFFFFFF  }
0xc3: {  	_ =	shalt  }
tec
execute0_lowered:
.L_overlay_start_1:
0x0: {  	(tag) =	ssettag $0x1  }
0x1: {  	s4 =	rddreg [dreg:$0x0];
	s1 =	srdreg.scid  }
0x2: {  	s0 =	stileid.u32;
	s14 =	rddreg [dreg:$0x1];
	s2 =	simm.s32 $0x0  }
0x3: {  	s21 =	simm.s32 $0x16000;
	s18 =	simm.s32 $0x1800;
	s19 =	simm.s32 $0x1  }
0x4: {  	s20 =	simm.s32 $0x2000;
	s22 =	simm.s32 $0x3;
	s23 =	simm.s32 $0x0  }
0x5: {  	s5 =	sand.u32 $0x1, s1;
	s3 =	sshll.u32 s0, $0x1;
	s1 =	rddreg [dreg:$0x2]  }
0x6: {  	[smem:$0x7FF] =	sst s2;
	s6 =	sor.u32 s5, s3;
	p0 =	slt.u32 s3, $0x18  }
0x7: {  	_ =	strace $0x80000047;
	s3 =	sadd.s32 $0x58400, s4;
	s7 =	sadd.s32 $0xFFFFFFE8, s6  }
0x8: {  	s4 =	sadd.s32 $0x400, s4;
	s5 =	ssub.s32 $0x2, s5;
	s7 =	smov.u32 @p0 s6  }
0x9: {  	s8 =	sshrl.u32 s5, $0x1;
	s6 =	sshrl.u32 s7, $0x1;
	s7 =	sand.u32 $0x1, s7  }
0xa: {  	s15 =	ssub.s32 s5, s8;
	s11 =	smul.u32 $0x3A980, s6;
	p0 =	seq.s32 s7, $0x1  }
0xb: {  	s15 =	smax.u32 s15, $0x1;
	s13 =	smul.u32 $0x2C000, s6;
	s21 =	simm.s32 @!p0 $0x0  }
0xc: {  	s12 =	sshrl.u32 s11, $0x3;
	s9 =	sadd.s32 $0x1000, s11;
	s10 =	sadd.s32 $0x3A000, s11  }
0xd: {  	s13 =	sadd.s32 s21, s13;
	s11 =	sadd.s32 $0x1800, s11;
	v0 =	vmov s21;
	s21 =	simm.s32 $0x2  }
0xe: {  	s5 =	sadd.s32 s3, s12;
	s31 =	sadd.s32 $0x100, s12;
	s6 =	sadd.s32 s4, s12  }
0xf: {  	s16 =	sadd.s32 $0x7500, s12;
	s17 =	sshrl.u32 s13, $0x3;
	s7 =	sadd.s32 s3, s31  }
0x10: {  	s8 =	sadd.s32 s4, s31;
	s12 =	sadd.s32 s3, s16;
	s13 =	sadd.s32 s4, s16  }
0x11: {  	v1 =	vimm.f32 $0.0e+00;
	s14 =	sadd.s32 s14, s17;
	s16 =	simm.s32 $0x800;
	s17 =	simm.s32 $0x1000  }
.LBB2_1:
0x12: {  	[tilespmem:s2], [sflag:$0x1] =	stream.linear.gather [hbm4b:s5+s2], $0x800, $0x38;
	[tilespmem:$0x18080] =	vst v63  }
0x13: {  	_ = 	snop  }
0x14: {  	[tilespmem:s16], [sflag:$0x1] =	stream.linear.gather [hbm4b:s6+s2], $0x800, $0x38;
	[tilespmem:$0x18080] =	vst v63  }
0x15: {  	_ = 	snop  }
0x16: {  	[tilespmem:s17], [sflag:$0x2] =	stream.linear.gather [hbm4b:s7+s2], $0x800, $0x38;
	[tilespmem:$0x18080] =	vst v63  }
0x17: {  	s24 =	simm.s32 $0x40;
	s25 =	simm.s32 $0x0  }
0x18: {  	[tilespmem:s18], [sflag:$0x2] =	stream.linear.gather [hbm4b:s8+s2], $0x800, $0x38;
	[tilespmem:$0x18080] =	vst v63  }
.LBB2_2:
0x19: {  	p0 =	sne.s32 s24, $0x58000;
	[tilespmem:s25+$0x2000] =	vst v1;
	s25 =	smov.u32 s24;
	s24 =	sadd.s32 $0x40, s24  }
.Ltmp0:
0x1a: {  	(pc) =	sbr.rel @p0 .LBB2_2-.Ltmp0, $2  }
0x1b: {  	_ =	sdelay $0x2  }
0x1c: {  	s25 =	sshra.s32 s25, $0x2  }
0x1d: {  	[tilespmem:s25+$0x2000] =	vst v1;
	s24 =	simm.s32 $0x0  }
.LBB2_4:
0x1e: {  	_ =	swait.ge [sflag:s19], $0x800  }
0x1f: {  	[sflag:s19] =	ssyncset.done $0x0  }
0x20: {  	[sflag:s19] =	ssyncadd.s32 $0xFFFFF800  }
0x21: {  	_ =	swait.ge [sflag:s19], $0x800  }
0x22: {  	[sflag:s19] =	ssyncset.done $0x0  }
0x23: {  	s25 =	simm.s32 $0x0;
	[sflag:s19] =	ssyncadd.s32 $0xFFFFF800  }
.LBB2_5:
0x24: {  	s26 =	sshra.s32 s25, $0x2  }
0x25: {  	v2 =	vld [tilespmem:s26+$0x0];
	_ =	sdelay $0x4  }
0x26: {  	v2 =	vsub.s32 v2, v0  }
0x27: {  	v3 =	vld [tilespmem:s26+$0x800];
	v2 =	vmin.u32 v2, $0x16000;
	_ =	sdelay $0x4  }
0x28: {  	[tilespmem:v2+s20+$0x0] =	vst.idx.msk $0xffff, v3  }
0x29: {  	v2 =	vld [tilespmem:s26+$0x10];
	_ =	sdelay $0x4  }
0x2a: {  	v2 =	vsub.s32 v2, v0  }
0x2b: {  	v3 =	vld [tilespmem:s26+$0x810];
	v2 =	vmin.u32 v2, $0x16000;
	_ =	sdelay $0x4  }
0x2c: {  	[tilespmem:v2+s20+$0x0] =	vst.idx.msk $0xffff, v3  }
0x2d: {  	v2 =	vld [tilespmem:s26+$0x20];
	_ =	sdelay $0x4  }
0x2e: {  	v2 =	vsub.s32 v2, v0  }
0x2f: {  	v3 =	vld [tilespmem:s26+$0x820];
	v2 =	vmin.u32 v2, $0x16000;
	_ =	sdelay $0x4  }
0x30: {  	[tilespmem:v2+s20+$0x0] =	vst.idx.msk $0xffff, v3  }
0x31: {  	v2 =	vld [tilespmem:s26+$0x30];
	_ =	sdelay $0x4  }
0x32: {  	v2 =	vsub.s32 v2, v0  }
0x33: {  	v3 =	vld [tilespmem:s26+$0x830];
	v2 =	vmin.u32 v2, $0x16000;
	_ =	sdelay $0x4  }
0x34: {  	[tilespmem:v2+s20+$0x0] =	vst.idx.msk $0xffff, v3  }
0x35: {  	v2 =	vld [tilespmem:s26+$0x40];
	_ =	sdelay $0x4  }
0x36: {  	v2 =	vsub.s32 v2, v0  }
0x37: {  	v3 =	vld [tilespmem:s26+$0x840];
	v2 =	vmin.u32 v2, $0x16000;
	_ =	sdelay $0x4  }
0x38: {  	[tilespmem:v2+s20+$0x0] =	vst.idx.msk $0xffff, v3  }
0x39: {  	v2 =	vld [tilespmem:s26+$0x50];
	_ =	sdelay $0x4  }
0x3a: {  	v2 =	vsub.s32 v2, v0  }
0x3b: {  	v3 =	vld [tilespmem:s26+$0x850];
	v2 =	vmin.u32 v2, $0x16000;
	_ =	sdelay $0x4  }
0x3c: {  	[tilespmem:v2+s20+$0x0] =	vst.idx.msk $0xffff, v3  }
0x3d: {  	v2 =	vld [tilespmem:s26+$0x60];
	_ =	sdelay $0x4  }
0x3e: {  	v2 =	vsub.s32 v2, v0  }
0x3f: {  	v3 =	vld [tilespmem:s26+$0x860];
	v2 =	vmin.u32 v2, $0x16000;
	_ =	sdelay $0x4  }
0x40: {  	[tilespmem:v2+s20+$0x0] =	vst.idx.msk $0xffff, v3  }
0x41: {  	v2 =	vld [tilespmem:s26+$0x70];
	_ =	sdelay $0x4  }
0x42: {  	v2 =	vsub.s32 v2, v0  }
0x43: {  	p0 =	sne.s32 s25, $0x1E00;
	v3 =	vld [tilespmem:s26+$0x870];
	v2 =	vmin.u32 v2, $0x16000  }
.Ltmp1:
0x44: {  	_ = 	snop;
	(pc) =	sbr.rel @p0 .LBB2_5-.Ltmp1, $2  }
0x45: {  	_ =	sdelay $0x2  }
0x46: {  	s25 =	sadd.s32 $0x200, s25;
	[tilespmem:v2+s20+$0x0] =	vst.idx.msk $0xffff, v3  }
0x47: {  	s25 =	sshll.u32 s24, $0xC  }
0x48: {  	p0 =	seq.s32 s24, $0x39;
	s26 =	sadd.s32 s25, s9  }
0x49: {  	s26 =	smov.u32 @p0 s10  }
0x4a: {  	s28 =	sshrl.u32 s26, $0x3  }
0x4b: {  	s26 =	simm.s32 $0x0;
	s29 =	sadd.s32 s3, s28  }
0x4c: {  	[tilespmem:s26], [sflag:$0x1] =	stream.linear.gather [hbm4b:s29+s26], $0x800, $0x38;
	[tilespmem:$0x18080] =	vst v63  }
0x4d: {  	s28 =	sadd.s32 s4, s28  }
0x4e: {  	[tilespmem:s16], [sflag:$0x1] =	stream.linear.gather [hbm4b:s28+s26], $0x800, $0x38;
	[tilespmem:$0x18080] =	vst v63  }
0x4f: {  	_ =	swait.ge [sflag:s21], $0x800  }
0x50: {  	[sflag:s21] =	ssyncset.done $0x0  }
0x51: {  	[sflag:s21] =	ssyncadd.s32 $0xFFFFF800  }
0x52: {  	_ =	swait.ge [sflag:s21], $0x800  }
0x53: {  	[sflag:s21] =	ssyncset.done $0x0  }
0x54: {  	[sflag:s21] =	ssyncadd.s32 $0xFFFFF800  }
.LBB2_7:
0x55: {  	s28 =	sshra.s32 s26, $0x2  }
0x56: {  	v2 =	vld [tilespmem:s28+$0x1000];
	_ =	sdelay $0x4  }
0x57: {  	v2 =	vsub.s32 v2, v0  }
0x58: {  	v3 =	vld [tilespmem:s28+$0x1800];
	v2 =	vmin.u32 v2, $0x16000;
	_ =	sdelay $0x4  }
0x59: {  	[tilespmem:v2+s20+$0x0] =	vst.idx.msk $0xffff, v3  }
0x5a: {  	v2 =	vld [tilespmem:s28+$0x1010];
	_ =	sdelay $0x4  }
0x5b: {  	v2 =	vsub.s32 v2, v0  }
0x5c: {  	v3 =	vld [tilespmem:s28+$0x1810];
	v2 =	vmin.u32 v2, $0x16000;
	_ =	sdelay $0x4  }
0x5d: {  	[tilespmem:v2+s20+$0x0] =	vst.idx.msk $0xffff, v3  }
0x5e: {  	v2 =	vld [tilespmem:s28+$0x1020];
	_ =	sdelay $0x4  }
0x5f: {  	v2 =	vsub.s32 v2, v0  }
0x60: {  	v3 =	vld [tilespmem:s28+$0x1820];
	v2 =	vmin.u32 v2, $0x16000;
	_ =	sdelay $0x4  }
0x61: {  	[tilespmem:v2+s20+$0x0] =	vst.idx.msk $0xffff, v3  }
0x62: {  	v2 =	vld [tilespmem:s28+$0x1030];
	_ =	sdelay $0x4  }
0x63: {  	v2 =	vsub.s32 v2, v0  }
0x64: {  	v3 =	vld [tilespmem:s28+$0x1830];
	v2 =	vmin.u32 v2, $0x16000;
	_ =	sdelay $0x4  }
0x65: {  	[tilespmem:v2+s20+$0x0] =	vst.idx.msk $0xffff, v3  }
0x66: {  	v2 =	vld [tilespmem:s28+$0x1040];
	_ =	sdelay $0x4  }
0x67: {  	v2 =	vsub.s32 v2, v0  }
0x68: {  	v3 =	vld [tilespmem:s28+$0x1840];
	v2 =	vmin.u32 v2, $0x16000;
	_ =	sdelay $0x4  }
0x69: {  	[tilespmem:v2+s20+$0x0] =	vst.idx.msk $0xffff, v3  }
0x6a: {  	v2 =	vld [tilespmem:s28+$0x1050];
	_ =	sdelay $0x4  }
0x6b: {  	v2 =	vsub.s32 v2, v0  }
0x6c: {  	v3 =	vld [tilespmem:s28+$0x1850];
	v2 =	vmin.u32 v2, $0x16000;
	_ =	sdelay $0x4  }
0x6d: {  	[tilespmem:v2+s20+$0x0] =	vst.idx.msk $0xffff, v3  }
0x6e: {  	v2 =	vld [tilespmem:s28+$0x1060];
	_ =	sdelay $0x4  }
0x6f: {  	v2 =	vsub.s32 v2, v0  }
0x70: {  	v3 =	vld [tilespmem:s28+$0x1860];
	v2 =	vmin.u32 v2, $0x16000;
	_ =	sdelay $0x4  }
0x71: {  	[tilespmem:v2+s20+$0x0] =	vst.idx.msk $0xffff, v3  }
0x72: {  	v2 =	vld [tilespmem:s28+$0x1070];
	_ =	sdelay $0x4  }
0x73: {  	v2 =	vsub.s32 v2, v0  }
0x74: {  	p1 =	sne.s32 s26, $0x1E00;
	v3 =	vld [tilespmem:s28+$0x1870];
	v2 =	vmin.u32 v2, $0x16000  }
.Ltmp2:
0x75: {  	_ = 	snop;
	(pc) =	sbr.rel @p1 .LBB2_7-.Ltmp2, $2  }
0x76: {  	_ =	sdelay $0x2  }
0x77: {  	s26 =	sadd.s32 $0x200, s26;
	[tilespmem:v2+s20+$0x0] =	vst.idx.msk $0xffff, v3  }
.Ltmp3:
0x78: {  	(pc) =	sbr.rel @p0 .LBB2_10-.Ltmp3, $1  }
0x79: {  	_ =	sdelay $0x3  }
0x7a: {  	s25 =	sadd.s32 s25, s11  }
.Ltmp4:
0x7b: {  	s25 =	sshrl.u32 s25, $0x3;
	(pc) =	sbr.rel .LBB2_4-.Ltmp4, $4  }
0x7c: {  	s26 =	sadd.s32 s3, s25  }
0x7d: {  	[tilespmem:s17], [sflag:$0x2] =	stream.linear.gather [hbm4b:s26+s2], $0x800, $0x38;
	[tilespmem:$0x18080] =	vst v63  }
0x7e: {  	s24 =	sadd.s32 $0x1, s24;
	s25 =	sadd.s32 s4, s25  }
0x7f: {  	[tilespmem:s18], [sflag:$0x2] =	stream.linear.gather [hbm4b:s25+s2], $0x800, $0x38;
	[tilespmem:$0x18080] =	vst v63  }
.LBB2_10:
0x80: {  	s24 =	simm.s32 $0x0  }
0x81: {  	[tilespmem:s17], [sflag:$0x2] =	stream.linear.gather [hbm4b:s12+s24], $0x180, $0x38;
	[tilespmem:$0x18080] =	vst v63  }
0x82: {  	_ = 	snop  }
0x83: {  	[tilespmem:s18], [sflag:$0x2] =	stream.linear.gather [hbm4b:s13+s24], $0x180, $0x38;
	[tilespmem:$0x18080] =	vst v63  }
0x84: {  	_ =	swait.ge [sflag:s19], $0x800  }
0x85: {  	[sflag:s19] =	ssyncset.done $0x0  }
0x86: {  	[sflag:s19] =	ssyncadd.s32 $0xFFFFF800  }
0x87: {  	_ =	swait.ge [sflag:s19], $0x800  }
0x88: {  	[sflag:s19] =	ssyncset.done $0x0  }
0x89: {  	[sflag:s19] =	ssyncadd.s32 $0xFFFFF800  }
.LBB2_11:
0x8a: {  	s25 =	sshra.s32 s24, $0x2  }
0x8b: {  	v2 =	vld [tilespmem:s25+$0x0];
	_ =	sdelay $0x4  }
0x8c: {  	v2 =	vsub.s32 v2, v0  }
0x8d: {  	v3 =	vld [tilespmem:s25+$0x800];
	v2 =	vmin.u32 v2, $0x16000;
	_ =	sdelay $0x4  }
0x8e: {  	[tilespmem:v2+s20+$0x0] =	vst.idx.msk $0xffff, v3  }
0x8f: {  	v2 =	vld [tilespmem:s25+$0x10];
	_ =	sdelay $0x4  }
0x90: {  	v2 =	vsub.s32 v2, v0  }
0x91: {  	v3 =	vld [tilespmem:s25+$0x810];
	v2 =	vmin.u32 v2, $0x16000;
	_ =	sdelay $0x4  }
0x92: {  	[tilespmem:v2+s20+$0x0] =	vst.idx.msk $0xffff, v3  }
0x93: {  	v2 =	vld [tilespmem:s25+$0x20];
	_ =	sdelay $0x4  }
0x94: {  	v2 =	vsub.s32 v2, v0  }
0x95: {  	v3 =	vld [tilespmem:s25+$0x820];
	v2 =	vmin.u32 v2, $0x16000;
	_ =	sdelay $0x4  }
0x96: {  	[tilespmem:v2+s20+$0x0] =	vst.idx.msk $0xffff, v3  }
0x97: {  	v2 =	vld [tilespmem:s25+$0x30];
	_ =	sdelay $0x4  }
0x98: {  	v2 =	vsub.s32 v2, v0  }
0x99: {  	v3 =	vld [tilespmem:s25+$0x830];
	v2 =	vmin.u32 v2, $0x16000;
	_ =	sdelay $0x4  }
0x9a: {  	[tilespmem:v2+s20+$0x0] =	vst.idx.msk $0xffff, v3  }
0x9b: {  	v2 =	vld [tilespmem:s25+$0x40];
	_ =	sdelay $0x4  }
0x9c: {  	v2 =	vsub.s32 v2, v0  }
0x9d: {  	v3 =	vld [tilespmem:s25+$0x840];
	v2 =	vmin.u32 v2, $0x16000;
	_ =	sdelay $0x4  }
0x9e: {  	[tilespmem:v2+s20+$0x0] =	vst.idx.msk $0xffff, v3  }
0x9f: {  	v2 =	vld [tilespmem:s25+$0x50];
	_ =	sdelay $0x4  }
0xa0: {  	v2 =	vsub.s32 v2, v0  }
0xa1: {  	v3 =	vld [tilespmem:s25+$0x850];
	v2 =	vmin.u32 v2, $0x16000;
	_ =	sdelay $0x4  }
0xa2: {  	[tilespmem:v2+s20+$0x0] =	vst.idx.msk $0xffff, v3  }
0xa3: {  	v2 =	vld [tilespmem:s25+$0x60];
	_ =	sdelay $0x4  }
0xa4: {  	v2 =	vsub.s32 v2, v0  }
0xa5: {  	v3 =	vld [tilespmem:s25+$0x860];
	v2 =	vmin.u32 v2, $0x16000;
	_ =	sdelay $0x4  }
0xa6: {  	[tilespmem:v2+s20+$0x0] =	vst.idx.msk $0xffff, v3  }
0xa7: {  	v2 =	vld [tilespmem:s25+$0x70];
	_ =	sdelay $0x4  }
0xa8: {  	v2 =	vsub.s32 v2, v0  }
0xa9: {  	p0 =	sne.s32 s24, $0x1E00;
	v3 =	vld [tilespmem:s25+$0x870];
	v2 =	vmin.u32 v2, $0x16000  }
.Ltmp5:
0xaa: {  	_ = 	snop;
	(pc) =	sbr.rel @p0 .LBB2_11-.Ltmp5, $2  }
0xab: {  	_ =	sdelay $0x2  }
0xac: {  	s24 =	sadd.s32 $0x200, s24;
	[tilespmem:v2+s20+$0x0] =	vst.idx.msk $0xffff, v3  }
0xad: {  	_ =	swait.ge [sflag:s21], $0x180  }
0xae: {  	[sflag:s21] =	ssyncset.done $0x0  }
0xaf: {  	[sflag:s21] =	ssyncadd.s32 $0xFFFFFE80  }
0xb0: {  	_ =	swait.ge [sflag:s21], $0x180  }
0xb1: {  	[sflag:s21] =	ssyncset.done $0x0  }
0xb2: {  	[sflag:s21] =	ssyncadd.s32 $0xFFFFFE80  }
0xb3: {  	v2 =	vld [tilespmem:$0x1000];
	_ =	sdelay $0x4  }
0xb4: {  	v2 =	vsub.s32 v2, v0  }
0xb5: {  	v3 =	vld [tilespmem:$0x1800];
	v2 =	vmin.u32 v2, $0x16000;
	_ =	sdelay $0x4  }
0xb6: {  	[tilespmem:v2+s20+$0x0] =	vst.idx.msk $0xffff, v3  }
0xb7: {  	v2 =	vld [tilespmem:$0x1010];
	_ =	sdelay $0x4  }
0xb8: {  	v2 =	vsub.s32 v2, v0  }
0xb9: {  	v3 =	vld [tilespmem:$0x1810];
	v2 =	vmin.u32 v2, $0x16000;
	_ =	sdelay $0x4  }
0xba: {  	[tilespmem:v2+s20+$0x0] =	vst.idx.msk $0xffff, v3  }
0xbb: {  	v2 =	vld [tilespmem:$0x1020];
	_ =	sdelay $0x4  }
0xbc: {  	v2 =	vsub.s32 v2, v0  }
0xbd: {  	v3 =	vld [tilespmem:$0x1820];
	v2 =	vmin.u32 v2, $0x16000;
	_ =	sdelay $0x4  }
0xbe: {  	[tilespmem:v2+s20+$0x0] =	vst.idx.msk $0xffff, v3  }
0xbf: {  	v2 =	vld [tilespmem:$0x1030];
	_ =	sdelay $0x4  }
0xc0: {  	v2 =	vsub.s32 v2, v0  }
0xc1: {  	v3 =	vld [tilespmem:$0x1830];
	v2 =	vmin.u32 v2, $0x16000;
	_ =	sdelay $0x4  }
0xc2: {  	[tilespmem:v2+s20+$0x0] =	vst.idx.msk $0xffff, v3  }
0xc3: {  	v2 =	vld [tilespmem:$0x1040];
	_ =	sdelay $0x4  }
0xc4: {  	v2 =	vsub.s32 v2, v0  }
0xc5: {  	v3 =	vld [tilespmem:$0x1840];
	v2 =	vmin.u32 v2, $0x16000;
	_ =	sdelay $0x4  }
0xc6: {  	[tilespmem:v2+s20+$0x0] =	vst.idx.msk $0xffff, v3  }
0xc7: {  	v2 =	vld [tilespmem:$0x1050];
	_ =	sdelay $0x4  }
0xc8: {  	v2 =	vsub.s32 v2, v0  }
0xc9: {  	v3 =	vld [tilespmem:$0x1850];
	v2 =	vmin.u32 v2, $0x16000;
	_ =	sdelay $0x4  }
0xca: {  	[tilespmem:v2+s20+$0x0] =	vst.idx.msk $0xffff, v3  }
0xcb: {  	v2 =	vld [tilespmem:$0x1060];
	_ =	sdelay $0x4  }
0xcc: {  	v2 =	vsub.s32 v2, v0  }
0xcd: {  	v3 =	vld [tilespmem:$0x1860];
	v2 =	vmin.u32 v2, $0x16000;
	_ =	sdelay $0x4  }
0xce: {  	[tilespmem:v2+s20+$0x0] =	vst.idx.msk $0xffff, v3  }
0xcf: {  	v2 =	vld [tilespmem:$0x1070];
	_ =	sdelay $0x4  }
0xd0: {  	v2 =	vsub.s32 v2, v0  }
0xd1: {  	v3 =	vld [tilespmem:$0x1870];
	v2 =	vmin.u32 v2, $0x16000;
	_ =	sdelay $0x4  }
0xd2: {  	[tilespmem:v2+s20+$0x0] =	vst.idx.msk $0xffff, v3  }
0xd3: {  	v2 =	vld [tilespmem:$0x1080];
	_ =	sdelay $0x4  }
0xd4: {  	v2 =	vsub.s32 v2, v0  }
0xd5: {  	v3 =	vld [tilespmem:$0x1880];
	v2 =	vmin.u32 v2, $0x16000;
	_ =	sdelay $0x4  }
0xd6: {  	[tilespmem:v2+s20+$0x0] =	vst.idx.msk $0xffff, v3  }
0xd7: {  	v2 =	vld [tilespmem:$0x1090];
	_ =	sdelay $0x4  }
0xd8: {  	v2 =	vsub.s32 v2, v0  }
0xd9: {  	v3 =	vld [tilespmem:$0x1890];
	v2 =	vmin.u32 v2, $0x16000;
	_ =	sdelay $0x4  }
0xda: {  	[tilespmem:v2+s20+$0x0] =	vst.idx.msk $0xffff, v3  }
0xdb: {  	v2 =	vld [tilespmem:$0x10A0];
	_ =	sdelay $0x4  }
0xdc: {  	v2 =	vsub.s32 v2, v0  }
0xdd: {  	v3 =	vld [tilespmem:$0x18A0];
	v2 =	vmin.u32 v2, $0x16000;
	_ =	sdelay $0x4  }
0xde: {  	[tilespmem:v2+s20+$0x0] =	vst.idx.msk $0xffff, v3  }
0xdf: {  	v2 =	vld [tilespmem:$0x10B0];
	_ =	sdelay $0x4  }
0xe0: {  	v2 =	vsub.s32 v2, v0  }
0xe1: {  	v3 =	vld [tilespmem:$0x18B0];
	v2 =	vmin.u32 v2, $0x16000;
	_ =	sdelay $0x4  }
0xe2: {  	[tilespmem:v2+s20+$0x0] =	vst.idx.msk $0xffff, v3  }
0xe3: {  	v2 =	vld [tilespmem:$0x10C0];
	_ =	sdelay $0x4  }
0xe4: {  	v2 =	vsub.s32 v2, v0  }
0xe5: {  	v3 =	vld [tilespmem:$0x18C0];
	v2 =	vmin.u32 v2, $0x16000;
	_ =	sdelay $0x4  }
0xe6: {  	[tilespmem:v2+s20+$0x0] =	vst.idx.msk $0xffff, v3  }
0xe7: {  	v2 =	vld [tilespmem:$0x10D0];
	_ =	sdelay $0x4  }
0xe8: {  	v2 =	vsub.s32 v2, v0  }
0xe9: {  	v3 =	vld [tilespmem:$0x18D0];
	v2 =	vmin.u32 v2, $0x16000;
	_ =	sdelay $0x4  }
0xea: {  	[tilespmem:v2+s20+$0x0] =	vst.idx.msk $0xffff, v3  }
0xeb: {  	v2 =	vld [tilespmem:$0x10E0];
	_ =	sdelay $0x4  }
0xec: {  	v2 =	vsub.s32 v2, v0  }
0xed: {  	v3 =	vld [tilespmem:$0x18E0];
	v2 =	vmin.u32 v2, $0x16000;
	_ =	sdelay $0x4  }
0xee: {  	[tilespmem:v2+s20+$0x0] =	vst.idx.msk $0xffff, v3  }
0xef: {  	v2 =	vld [tilespmem:$0x10F0];
	_ =	sdelay $0x4  }
0xf0: {  	v2 =	vsub.s32 v2, v0  }
0xf1: {  	v3 =	vld [tilespmem:$0x18F0];
	v2 =	vmin.u32 v2, $0x16000;
	_ =	sdelay $0x4  }
0xf2: {  	[tilespmem:v2+s20+$0x0] =	vst.idx.msk $0xffff, v3  }
0xf3: {  	v2 =	vld [tilespmem:$0x1100];
	_ =	sdelay $0x4  }
0xf4: {  	v2 =	vsub.s32 v2, v0  }
0xf5: {  	v3 =	vld [tilespmem:$0x1900];
	v2 =	vmin.u32 v2, $0x16000;
	_ =	sdelay $0x4  }
0xf6: {  	[tilespmem:v2+s20+$0x0] =	vst.idx.msk $0xffff, v3  }
0xf7: {  	v2 =	vld [tilespmem:$0x1110];
	_ =	sdelay $0x4  }
0xf8: {  	v2 =	vsub.s32 v2, v0  }
0xf9: {  	v3 =	vld [tilespmem:$0x1910];
	v2 =	vmin.u32 v2, $0x16000;
	_ =	sdelay $0x4  }
0xfa: {  	[tilespmem:v2+s20+$0x0] =	vst.idx.msk $0xffff, v3  }
0xfb: {  	v2 =	vld [tilespmem:$0x1120];
	_ =	sdelay $0x4  }
0xfc: {  	v2 =	vsub.s32 v2, v0  }
0xfd: {  	v3 =	vld [tilespmem:$0x1920];
	v2 =	vmin.u32 v2, $0x16000;
	_ =	sdelay $0x4  }
0xfe: {  	[tilespmem:v2+s20+$0x0] =	vst.idx.msk $0xffff, v3  }
0xff: {  	v2 =	vld [tilespmem:$0x1130];
	_ =	sdelay $0x4  }
0x100: {  	v2 =	vsub.s32 v2, v0  }
0x101: {  	v3 =	vld [tilespmem:$0x1930];
	v2 =	vmin.u32 v2, $0x16000;
	_ =	sdelay $0x4  }
0x102: {  	[tilespmem:v2+s20+$0x0] =	vst.idx.msk $0xffff, v3  }
0x103: {  	v2 =	vld [tilespmem:$0x1140];
	_ =	sdelay $0x4  }
0x104: {  	v2 =	vsub.s32 v2, v0  }
0x105: {  	v3 =	vld [tilespmem:$0x1940];
	v2 =	vmin.u32 v2, $0x16000;
	_ =	sdelay $0x4  }
0x106: {  	[tilespmem:v2+s20+$0x0] =	vst.idx.msk $0xffff, v3  }
0x107: {  	v2 =	vld [tilespmem:$0x1150];
	_ =	sdelay $0x4  }
0x108: {  	v2 =	vsub.s32 v2, v0  }
0x109: {  	v3 =	vld [tilespmem:$0x1950];
	v2 =	vmin.u32 v2, $0x16000;
	_ =	sdelay $0x4  }
0x10a: {  	[tilespmem:v2+s20+$0x0] =	vst.idx.msk $0xffff, v3  }
0x10b: {  	v2 =	vld [tilespmem:$0x1160];
	_ =	sdelay $0x4  }
0x10c: {  	v2 =	vsub.s32 v2, v0  }
0x10d: {  	v3 =	vld [tilespmem:$0x1960];
	v2 =	vmin.u32 v2, $0x16000;
	_ =	sdelay $0x4  }
0x10e: {  	[tilespmem:v2+s20+$0x0] =	vst.idx.msk $0xffff, v3  }
0x10f: {  	v2 =	vld [tilespmem:$0x1170];
	_ =	sdelay $0x4  }
0x110: {  	v2 =	vsub.s32 v2, v0  }
0x111: {  	v3 =	vld [tilespmem:$0x1970];
	v2 =	vmin.u32 v2, $0x16000;
	_ =	sdelay $0x2  }
0x112: {  	s23 =	sadd.s32 $0x1, s23  }
0x113: {  	p0 =	sne.s32 s23, s15  }
.Ltmp6:
0x114: {  	[tilespmem:v2+s20+$0x0] =	vst.idx.msk $0xffff, v3;
	(pc) =	sbr.rel @p0 .LBB2_1-.Ltmp6, $4  }
0x115: {  	[hbm4b:s14+s2] =	stream.linear.scatter [tilespmem:s20], [sflag:$0x3], $0x16000, $0x38;
	[tilespmem:$0x18080] =	vst v63  }
0x116: {  	_ =	swait.ge [sflag:s22], $0x16000  }
0x117: {  	[sflag:s22] =	ssyncset.done $0x0  }
0x118: {  	[sflag:s22] =	ssyncadd.s32 $0xFFFEA000  }
0x119: {  	_ =	sfence.sel $0x180000  }
0x11a: {  	[bflag:$0x0] =	sbarrier.arrive $0xFFFF  }
0x11b: {  	p0 =	sne.s32 s0, $0x0;
	_ =	strace $0x90000047  }
0x11c: {  	s0 =	sadd.s32 @!p0 $0x100000, s1;
	[bflag:$0x2] =	sbarrier.arrive $0xFFFF  }
0x11d: {  	[sflag:s0] =	ssyncadd.tile.s32 @!p0 $0x1;
	_ =	shalt  }
.Lfunc_end2:
_tile_overlayer_lowered:
.L_overlay_start_2:
0x11e: {  	(tag) =	ssettag $0x2  }
0x11f: {  	s0 =	rddreg [dreg:$0x0];
	s2 =	stileid.u32  }
0x120: {  	s1 =	rddreg [dreg:$0x1];
	p0 =	sne.s32 s2, $0x0  }
0x121: {  	s3 =	rddreg [dreg:$0x2];
	[bflag:$0x3] =	sbarrier.arrive $0xFFFF;
	s2 =	simm.s32 @!p0 $0x1C03  }
0x122: {  	[timem:s3], [sflag:s2] =	dma.local @!p0 [hbm:s0], s1  }
0x123: {  	s0 =	simm.s32 @!p0 $0x3  }
0x124: {  	_ =	swait.ge @!p0 [sflag:s0], s1  }
0x125: {  	s1 =	ssub.s32 @!p0 $0x0, s1;
	[sflag:s0] =	ssyncset.done @!p0 $0x0  }
0x126: {  	[sflag:s0] =	ssyncadd.s32 @!p0 s1  }
0x127: {  	[bflag:$0x3] =	sbarrier.arrive $0xFFFF  }
0x128: {  	_ =	shalt  }

</sc_bundles>
